<compile_context>
chip_gen: v7x
topology: tpu7x:2x2x1
jax: 0.10.2.dev20260603
libtpu: 0.0.44.dev20260713+nightly
codegen_flags: <defaults>
</compile_context>

<pallas_src>
import functools

import jax
import jax.numpy as jnp
from jax import lax
from jax.experimental import pallas as pl
from jax.experimental.pallas import tpu as pltpu
from jax.experimental.pallas import tpu_sc as plsc


def _gather_call(x_flat, w_flat, num_feat, rows_per_w, chunk):
    n_chunks = rows_per_w // chunk
    total_rows = x_flat.shape[0]
    d = w_flat.shape[1]
    vocab = w_flat.shape[0] // num_feat
    lanes = 16

    mesh = plsc.VectorSubcoreMesh(core_axis_name="c", subcore_axis_name="s")

    @functools.partial(
        pl.kernel,
        mesh=mesh,
        compiler_params=pltpu.CompilerParams(use_tc_tiling_on_sc=False),
        out_type=jax.ShapeDtypeStruct((total_rows, d), jnp.float32),
        scratch_types=(
            [pltpu.VMEM((chunk,), jnp.int32) for _ in range(2)]
            + [pltpu.VMEM((chunk,), jnp.int32)]
            + [pltpu.VMEM((chunk, d), jnp.float32) for _ in range(2)]
            + [pltpu.SemaphoreType.DMA for _ in range(6)]
        ),
    )
    def k(x_hbm, w_hbm, out_hbm, idx0, idx1, offs_v, rows0, rows1,
          semi0, semi1, semg0, semg1, semo0, semo1):
        idx_b = (idx0, idx1)
        rows_b = (rows0, rows1)
        semi = (semi0, semi1)
        semg = (semg0, semg1)
        semo = (semo0, semo1)

        wid = lax.axis_index("s") * 2 + lax.axis_index("c")
        wbase = wid * rows_per_w

        def fill_offs(i, _):
            sl = pl.ds(i * lanes, lanes)
            v = lax.iota(jnp.int32, lanes) + i * lanes
            offs_v[sl] = lax.rem(v, num_feat) * vocab
            return 0

        lax.fori_loop(0, chunk // lanes, fill_offs, 0)

        def row_slice(c):
            return pl.ds(wbase + c * chunk, chunk)

        def enqueue_gathers(b):
            idx_v, rows_v = idx_b[b], rows_b[b]

            def body(g, _):
                sl = pl.ds(g * lanes, lanes)
                v = idx_v[sl] + offs_v[sl]
                pltpu.async_copy(w_hbm.at[v], rows_v.at[sl], semg[b])
                return 0

            lax.fori_loop(0, chunk // lanes, body, 0)

        def drain_gathers(b):
            pltpu.make_async_copy(
                w_hbm.at[pl.ds(0, chunk)], rows_b[b], semg[b]).wait()

        idx_d = [None] * n_chunks
        out_d = [None] * n_chunks
        idx_d[0] = pltpu.async_copy(x_hbm.at[row_slice(0)], idx_b[0], semi[0])
        for c in range(n_chunks):
            b = c % 2
            idx_d[c].wait()
            if c + 1 < n_chunks:
                nb = (c + 1) % 2
                idx_d[c + 1] = pltpu.async_copy(
                    x_hbm.at[row_slice(c + 1)], idx_b[nb], semi[nb])
            if c >= 2:
                out_d[c - 2].wait()
            enqueue_gathers(b)
            if c >= 1:
                drain_gathers(1 - b)
                out_d[c - 1] = pltpu.async_copy(
                    rows_b[1 - b], out_hbm.at[row_slice(c - 1)], semo[1 - b])
        last_b = (n_chunks - 1) % 2
        drain_gathers(last_b)
        out_d[n_chunks - 1] = pltpu.async_copy(
            rows_b[last_b], out_hbm.at[row_slice(n_chunks - 1)], semo[last_b])
        out_d[n_chunks - 2].wait()
        out_d[n_chunks - 1].wait()

    return k(x_flat, w_flat)


def kernel(x, W):
    num_feat, vocab, d = W.shape
    batch = x.shape[0]
    total_rows = batch * num_feat

    nw = 32
    rows_per_w = total_rows // nw
    chunk = 1664

    x_flat = x.reshape(total_rows).astype(jnp.int32)
    w_flat = W.reshape(num_feat * vocab, d)
    out = _gather_call(x_flat, w_flat, num_feat, rows_per_w, chunk)
    return out.reshape(batch, num_feat, d)

# --- scband reference (transcript-rebuilt; emitter-appended) ---
"""Pipeline reference for scband-feature-embedding-78477642433243 (READ-ONLY COPY).

The authoritative reference and input builder live on the scoring server;
editing this copy changes nothing except your own understanding.
"""

import jax, jax.numpy as jnp
import numpy as np

NUM_FEATURES = 26
VOCAB = 100000
EMBED = 32
BATCH = 16384

def setup_inputs(seed: int = 0) -> dict:
    key = jax.random.key(seed)
    kx, kw = jax.random.split(key)
    x = jax.random.randint(kx, (BATCH, NUM_FEATURES), 0, VOCAB)
    # One embedding table per feature; all tables same shape so stacked as [F, vocab, d]
    W = jax.random.normal(kw, (NUM_FEATURES, VOCAB, EMBED), dtype=jnp.float32) * 0.05
    return {"x": x, "W": W}

def reference(x, W):
    # Faithful translation: per-feature embedding lookup, then stack along dim=1
    embedded_features = []
    for i in range(NUM_FEATURES):
        feature = x[:, i]
        embedded_features.append(jnp.take(W[i], feature, axis=0))
    return jnp.stack(embedded_features, axis=1)

if __name__ == "__main__":
    import jax
    _d = setup_inputs()
    print(jax.jit(kernel)(*tuple(_d.values())))

</pallas_src>

<mosaic_0001>
#map = affine_map<(d0, d1) -> (0)>
#map1 = affine_map<(d0, d1) -> (0, 0)>
module attributes {stable_mosaic.version = 14 : i64} {
  func.func @k(%arg0: i32, %arg1: i32, %arg2: memref<425984xi32, #tpu.memory_space<hbm>>, %arg3: memref<2600000x32xf32, #tpu.memory_space<hbm>>, %arg4: memref<425984x32xf32, #tpu.memory_space<hbm>>, %arg5: memref<1664xi32, #tpu.memory_space<vmem>>, %arg6: memref<1664xi32, #tpu.memory_space<vmem>>, %arg7: memref<1664xi32, #tpu.memory_space<vmem>>, %arg8: memref<1664x32xf32, #tpu.memory_space<vmem>>, %arg9: memref<1664x32xf32, #tpu.memory_space<vmem>>, %arg10: memref<!tpu.dma_semaphore, #tpu.memory_space<semaphore_mem>>, %arg11: memref<!tpu.dma_semaphore, #tpu.memory_space<semaphore_mem>>, %arg12: memref<!tpu.dma_semaphore, #tpu.memory_space<semaphore_mem>>, %arg13: memref<!tpu.dma_semaphore, #tpu.memory_space<semaphore_mem>>, %arg14: memref<!tpu.dma_semaphore, #tpu.memory_space<semaphore_mem>>, %arg15: memref<!tpu.dma_semaphore, #tpu.memory_space<semaphore_mem>>) attributes {dimension_semantics = [#tpu.dimension_semantics<core_parallel>, #tpu.dimension_semantics<subcore_parallel>], iteration_bounds = array<i64: 2, 16>, scalar_prefetch = 0 : i64, scratch_operands = 11 : i64, tpu.core_type = #tpu.core_type<sc_vector_subcore>, window_params = [{transform_indices = #map}, {transform_indices = #map1}, {transform_indices = #map1}]} {
    %mul3A = arith.constant 2 : i32
    %mul3A_0 = arith.muli %arg1, %mul3A : i32
    %add3A = arith.addi %mul3A_0, %arg0 : i32
    %mul3A_1 = arith.constant 13312 : i32
    %mul3A_2 = arith.muli %add3A, %mul3A_1 : i32
    %scan3A = arith.constant 0 : i32
    %scan3A_3 = arith.constant 0 : i32
    %scan3A_4 = arith.constant 104 : i32
    %scan3A_5 = arith.addi %scan3A_3, %scan3A_4 : i32
    %scan3A_6 = arith.constant 1 : i32
    %scan3A_7 = scf.for %scan3A_239 = %scan3A_3 to %scan3A_5 step %scan3A_6 iter_args(%scan3A_240 = %scan3A) -> (i32)  : i32 {
      %mul3A_241 = arith.constant 16 : i32
      %mul3A_242 = arith.muli %scan3A_239, %mul3A_241 : i32
      %iota3A = tpu.iota {dimensions = array<i32: 0>} : vector<16xi32>
      %mul3A_243 = arith.constant 16 : i32
      %mul3A_244 = arith.muli %scan3A_239, %mul3A_243 : i32
      %add3A_245 = vector.broadcast %mul3A_244 : i32 to vector<16xi32>
      %add3A_246 = arith.addi %iota3A, %add3A_245 : vector<16xi32>
      %rem3A = arith.constant 26 : i32
      %rem3A_247 = vector.broadcast %rem3A : i32 to vector<16xi32>
      %rem3A_248 = arith.remsi %add3A_246, %rem3A_247 : vector<16xi32>
      %mul3A_249 = arith.constant 100000 : i32
      %mul3A_250 = vector.broadcast %mul3A_249 : i32 to vector<16xi32>
      %mul3A_251 = arith.muli %rem3A_248, %mul3A_250 : vector<16xi32>
      %swap3A = arith.index_cast %mul3A_242 : i32 to index
      %swap3A_252 = tpu.vector_load %arg7[%swap3A] {strides = array<i32>} : memref<1664xi32, #tpu.memory_space<vmem>>, vector<16xi32>,
      %swap3A_253 = vector.shape_cast %swap3A_252 : vector<16xi32> to vector<16xi32>
      %swap3A_254 = vector.shape_cast %mul3A_251 : vector<16xi32> to vector<16xi32>
      tpu.vector_store %arg7[%swap3A], %swap3A_254 {strides = array<i32>} : memref<1664xi32, #tpu.memory_space<vmem>>, vector<16xi32>,
      %scan3A_255 = arith.constant 0 : i32
      scf.yield %scan3A_255 : i32
    }
    %scan3A_8 = arith.constant 104 : i32
    %add3A_9 = arith.constant 0 : i32
    %add3A_10 = arith.addi %mul3A_2, %add3A_9 : i32
    %dma_start3A = tpu.memref_slice %arg2[%add3A_10] : memref<425984xi32, #tpu.memory_space<hbm>> -> memref<1664xi32, #tpu.memory_space<hbm>>
    %dma_start3A_11 = tpu.memref_slice %arg2[%add3A_10] : memref<425984xi32, #tpu.memory_space<hbm>> -> memref<1664xi32, #tpu.memory_space<hbm>>
    tpu.enqueue_dma source(%dma_start3A_11 : memref<1664xi32, #tpu.memory_space<hbm>>) target(%arg5 : memref<1664xi32, #tpu.memory_space<vmem>>) target_semaphore(%arg10 : memref<!tpu.dma_semaphore, #tpu.memory_space<semaphore_mem>>)
    %dma_wait3A = tpu.memref_slice %arg2[%add3A_10] : memref<425984xi32, #tpu.memory_space<hbm>> -> memref<1664xi32, #tpu.memory_space<hbm>>
    %dma_wait3A_12 = tpu.memref_slice %arg2[%add3A_10] : memref<425984xi32, #tpu.memory_space<hbm>> -> memref<1664xi32, #tpu.memory_space<hbm>>
    tpu.wait_dma2 semaphore(%arg10 : memref<!tpu.dma_semaphore, #tpu.memory_space<semaphore_mem>>) src(%dma_wait3A_12 : memref<1664xi32, #tpu.memory_space<hbm>>) dst(%arg5 : memref<1664xi32, #tpu.memory_space<vmem>>)
    %add3A_13 = arith.constant 1664 : i32
    %add3A_14 = arith.addi %mul3A_2, %add3A_13 : i32
    %dma_start3A_15 = tpu.memref_slice %arg2[%add3A_14] : memref<425984xi32, #tpu.memory_space<hbm>> -> memref<1664xi32, #tpu.memory_space<hbm>>
    %dma_start3A_16 = tpu.memref_slice %arg2[%add3A_14] : memref<425984xi32, #tpu.memory_space<hbm>> -> memref<1664xi32, #tpu.memory_space<hbm>>
    tpu.enqueue_dma source(%dma_start3A_16 : memref<1664xi32, #tpu.memory_space<hbm>>) target(%arg6 : memref<1664xi32, #tpu.memory_space<vmem>>) target_semaphore(%arg11 : memref<!tpu.dma_semaphore, #tpu.memory_space<semaphore_mem>>)
    %scan3A_17 = arith.constant 0 : i32
    %scan3A_18 = arith.constant 0 : i32
    %scan3A_19 = arith.constant 104 : i32
    %scan3A_20 = arith.addi %scan3A_18, %scan3A_19 : i32
    %scan3A_21 = arith.constant 1 : i32
    %scan3A_22 = scf.for %scan3A_239 = %scan3A_18 to %scan3A_20 step %scan3A_21 iter_args(%scan3A_240 = %scan3A_17) -> (i32)  : i32 {
      %mul3A_241 = arith.constant 16 : i32
      %mul3A_242 = arith.muli %scan3A_239, %mul3A_241 : i32
      %get3A = arith.index_cast %mul3A_242 : i32 to index
      %get3A_243 = tpu.vector_load %arg5[%get3A] {strides = array<i32>} : memref<1664xi32, #tpu.memory_space<vmem>>, vector<16xi32>,
      %get3A_244 = vector.shape_cast %get3A_243 : vector<16xi32> to vector<16xi32>
      %get3A_245 = arith.index_cast %mul3A_242 : i32 to index
      %get3A_246 = tpu.vector_load %arg7[%get3A_245] {strides = array<i32>} : memref<1664xi32, #tpu.memory_space<vmem>>, vector<16xi32>,
      %get3A_247 = vector.shape_cast %get3A_246 : vector<16xi32> to vector<16xi32>
      %add3A_248 = arith.addi %get3A_244, %get3A_247 : vector<16xi32>
      %dma_start3A_249 = arith.constant 0 : i32
      %dma_start3A_250 = tpu.memref_slice %arg8[%mul3A_242, %dma_start3A_249] : memref<1664x32xf32, #tpu.memory_space<vmem>> -> memref<16x32xf32, #tpu.memory_space<vmem>>
      %dma_start3A_251 = arith.constant 0 : i32
      %dma_start3A_252 = arith.constant 0 : i32
      %dma_start3A_253 = tpu.memref_slice %arg3[%dma_start3A_251, %dma_start3A_252] : memref<2600000x32xf32, #tpu.memory_space<hbm>> -> memref<2600000x32xf32, #tpu.memory_space<hbm>>
      tpu.enqueue_indirect_dma source(%dma_start3A_253 : memref<2600000x32xf32, #tpu.memory_space<hbm>>) target(%dma_start3A_250 : memref<16x32xf32, #tpu.memory_space<vmem>>) offsets(%add3A_248 : vector<16xi32>) semaphore(%arg12 : memref<!tpu.dma_semaphore, #tpu.memory_space<semaphore_mem>>)
      %scan3A_254 = arith.constant 0 : i32
      scf.yield %scan3A_254 : i32
    }
    %scan3A_23 = arith.constant 104 : i32
    %dma_wait3A_24 = tpu.memref_slice %arg2[%add3A_14] : memref<425984xi32, #tpu.memory_space<hbm>> -> memref<1664xi32, #tpu.memory_space<hbm>>
    %dma_wait3A_25 = tpu.memref_slice %arg2[%add3A_14] : memref<425984xi32, #tpu.memory_space<hbm>> -> memref<1664xi32, #tpu.memory_space<hbm>>
    tpu.wait_dma2 semaphore(%arg11 : memref<!tpu.dma_semaphore, #tpu.memory_space<semaphore_mem>>) src(%dma_wait3A_25 : memref<1664xi32, #tpu.memory_space<hbm>>) dst(%arg6 : memref<1664xi32, #tpu.memory_space<vmem>>)
    %add3A_26 = arith.constant 3328 : i32
    %add3A_27 = arith.addi %mul3A_2, %add3A_26 : i32
    %dma_start3A_28 = tpu.memref_slice %arg2[%add3A_27] : memref<425984xi32, #tpu.memory_space<hbm>> -> memref<1664xi32, #tpu.memory_space<hbm>>
    %dma_start3A_29 = tpu.memref_slice %arg2[%add3A_27] : memref<425984xi32, #tpu.memory_space<hbm>> -> memref<1664xi32, #tpu.memory_space<hbm>>
    tpu.enqueue_dma source(%dma_start3A_29 : memref<1664xi32, #tpu.memory_space<hbm>>) target(%arg5 : memref<1664xi32, #tpu.memory_space<vmem>>) target_semaphore(%arg10 : memref<!tpu.dma_semaphore, #tpu.memory_space<semaphore_mem>>)
    %scan3A_30 = arith.constant 0 : i32
    %scan3A_31 = arith.constant 0 : i32
    %scan3A_32 = arith.constant 104 : i32
    %scan3A_33 = arith.addi %scan3A_31, %scan3A_32 : i32
    %scan3A_34 = arith.constant 1 : i32
    %scan3A_35 = scf.for %scan3A_239 = %scan3A_31 to %scan3A_33 step %scan3A_34 iter_args(%scan3A_240 = %scan3A_30) -> (i32)  : i32 {
      %mul3A_241 = arith.constant 16 : i32
      %mul3A_242 = arith.muli %scan3A_239, %mul3A_241 : i32
      %get3A = arith.index_cast %mul3A_242 : i32 to index
      %get3A_243 = tpu.vector_load %arg6[%get3A] {strides = array<i32>} : memref<1664xi32, #tpu.memory_space<vmem>>, vector<16xi32>,
      %get3A_244 = vector.shape_cast %get3A_243 : vector<16xi32> to vector<16xi32>
      %get3A_245 = arith.index_cast %mul3A_242 : i32 to index
      %get3A_246 = tpu.vector_load %arg7[%get3A_245] {strides = array<i32>} : memref<1664xi32, #tpu.memory_space<vmem>>, vector<16xi32>,
      %get3A_247 = vector.shape_cast %get3A_246 : vector<16xi32> to vector<16xi32>
      %add3A_248 = arith.addi %get3A_244, %get3A_247 : vector<16xi32>
      %dma_start3A_249 = arith.constant 0 : i32
      %dma_start3A_250 = tpu.memref_slice %arg9[%mul3A_242, %dma_start3A_249] : memref<1664x32xf32, #tpu.memory_space<vmem>> -> memref<16x32xf32, #tpu.memory_space<vmem>>
      %dma_start3A_251 = arith.constant 0 : i32
      %dma_start3A_252 = arith.constant 0 : i32
      %dma_start3A_253 = tpu.memref_slice %arg3[%dma_start3A_251, %dma_start3A_252] : memref<2600000x32xf32, #tpu.memory_space<hbm>> -> memref<2600000x32xf32, #tpu.memory_space<hbm>>
      tpu.enqueue_indirect_dma source(%dma_start3A_253 : memref<2600000x32xf32, #tpu.memory_space<hbm>>) target(%dma_start3A_250 : memref<16x32xf32, #tpu.memory_space<vmem>>) offsets(%add3A_248 : vector<16xi32>) semaphore(%arg13 : memref<!tpu.dma_semaphore, #tpu.memory_space<semaphore_mem>>)
      %scan3A_254 = arith.constant 0 : i32
      scf.yield %scan3A_254 : i32
    }
    %scan3A_36 = arith.constant 104 : i32
    %dma_wait3A_37 = arith.constant 0 : i32
    %dma_wait3A_38 = arith.constant 0 : i32
    %dma_wait3A_39 = tpu.memref_slice %arg3[%dma_wait3A_37, %dma_wait3A_38] : memref<2600000x32xf32, #tpu.memory_space<hbm>> -> memref<1664x32xf32, #tpu.memory_space<hbm>>
    %dma_wait3A_40 = arith.constant 0 : i32
    %dma_wait3A_41 = arith.constant 0 : i32
    %dma_wait3A_42 = tpu.memref_slice %arg3[%dma_wait3A_40, %dma_wait3A_41] : memref<2600000x32xf32, #tpu.memory_space<hbm>> -> memref<1664x32xf32, #tpu.memory_space<hbm>>
    tpu.wait_dma2 semaphore(%arg12 : memref<!tpu.dma_semaphore, #tpu.memory_space<semaphore_mem>>) src(%dma_wait3A_42 : memref<1664x32xf32, #tpu.memory_space<hbm>>) dst(%arg8 : memref<1664x32xf32, #tpu.memory_space<vmem>>)
    %add3A_43 = arith.constant 0 : i32
    %add3A_44 = arith.addi %mul3A_2, %add3A_43 : i32
    %dma_start3A_45 = arith.constant 0 : i32
    %dma_start3A_46 = tpu.memref_slice %arg4[%add3A_44, %dma_start3A_45] : memref<425984x32xf32, #tpu.memory_space<hbm>> -> memref<1664x32xf32, #tpu.memory_space<hbm>>
    %dma_start3A_47 = arith.constant 0 : i32
    %dma_start3A_48 = tpu.memref_slice %arg4[%add3A_44, %dma_start3A_47] : memref<425984x32xf32, #tpu.memory_space<hbm>> -> memref<1664x32xf32, #tpu.memory_space<hbm>>
    tpu.enqueue_dma source(%arg8 : memref<1664x32xf32, #tpu.memory_space<vmem>>) target(%dma_start3A_48 : memref<1664x32xf32, #tpu.memory_space<hbm>>) target_semaphore(%arg14 : memref<!tpu.dma_semaphore, #tpu.memory_space<semaphore_mem>>)
    %dma_wait3A_49 = tpu.memref_slice %arg2[%add3A_27] : memref<425984xi32, #tpu.memory_space<hbm>> -> memref<1664xi32, #tpu.memory_space<hbm>>
    %dma_wait3A_50 = tpu.memref_slice %arg2[%add3A_27] : memref<425984xi32, #tpu.memory_space<hbm>> -> memref<1664xi32, #tpu.memory_space<hbm>>
    tpu.wait_dma2 semaphore(%arg10 : memref<!tpu.dma_semaphore, #tpu.memory_space<semaphore_mem>>) src(%dma_wait3A_50 : memref<1664xi32, #tpu.memory_space<hbm>>) dst(%arg5 : memref<1664xi32, #tpu.memory_space<vmem>>)
    %add3A_51 = arith.constant 4992 : i32
    %add3A_52 = arith.addi %mul3A_2, %add3A_51 : i32
    %dma_start3A_53 = tpu.memref_slice %arg2[%add3A_52] : memref<425984xi32, #tpu.memory_space<hbm>> -> memref<1664xi32, #tpu.memory_space<hbm>>
    %dma_start3A_54 = tpu.memref_slice %arg2[%add3A_52] : memref<425984xi32, #tpu.memory_space<hbm>> -> memref<1664xi32, #tpu.memory_space<hbm>>
    tpu.enqueue_dma source(%dma_start3A_54 : memref<1664xi32, #tpu.memory_space<hbm>>) target(%arg6 : memref<1664xi32, #tpu.memory_space<vmem>>) target_semaphore(%arg11 : memref<!tpu.dma_semaphore, #tpu.memory_space<semaphore_mem>>)
    %dma_wait3A_55 = arith.constant 0 : i32
    %dma_wait3A_56 = tpu.memref_slice %arg4[%add3A_44, %dma_wait3A_55] : memref<425984x32xf32, #tpu.memory_space<hbm>> -> memref<1664x32xf32, #tpu.memory_space<hbm>>
    %dma_wait3A_57 = arith.constant 0 : i32
    %dma_wait3A_58 = tpu.memref_slice %arg4[%add3A_44, %dma_wait3A_57] : memref<425984x32xf32, #tpu.memory_space<hbm>> -> memref<1664x32xf32, #tpu.memory_space<hbm>>
    tpu.wait_dma2 semaphore(%arg14 : memref<!tpu.dma_semaphore, #tpu.memory_space<semaphore_mem>>) src(%arg8 : memref<1664x32xf32, #tpu.memory_space<vmem>>) dst(%dma_wait3A_58 : memref<1664x32xf32, #tpu.memory_space<hbm>>)
    %scan3A_59 = arith.constant 0 : i32
    %scan3A_60 = arith.constant 0 : i32
    %scan3A_61 = arith.constant 104 : i32
    %scan3A_62 = arith.addi %scan3A_60, %scan3A_61 : i32
    %scan3A_63 = arith.constant 1 : i32
    %scan3A_64 = scf.for %scan3A_239 = %scan3A_60 to %scan3A_62 step %scan3A_63 iter_args(%scan3A_240 = %scan3A_59) -> (i32)  : i32 {
      %mul3A_241 = arith.constant 16 : i32
      %mul3A_242 = arith.muli %scan3A_239, %mul3A_241 : i32
      %get3A = arith.index_cast %mul3A_242 : i32 to index
      %get3A_243 = tpu.vector_load %arg5[%get3A] {strides = array<i32>} : memref<1664xi32, #tpu.memory_space<vmem>>, vector<16xi32>,
      %get3A_244 = vector.shape_cast %get3A_243 : vector<16xi32> to vector<16xi32>
      %get3A_245 = arith.index_cast %mul3A_242 : i32 to index
      %get3A_246 = tpu.vector_load %arg7[%get3A_245] {strides = array<i32>} : memref<1664xi32, #tpu.memory_space<vmem>>, vector<16xi32>,
      %get3A_247 = vector.shape_cast %get3A_246 : vector<16xi32> to vector<16xi32>
      %add3A_248 = arith.addi %get3A_244, %get3A_247 : vector<16xi32>
      %dma_start3A_249 = arith.constant 0 : i32
      %dma_start3A_250 = tpu.memref_slice %arg8[%mul3A_242, %dma_start3A_249] : memref<1664x32xf32, #tpu.memory_space<vmem>> -> memref<16x32xf32, #tpu.memory_space<vmem>>
      %dma_start3A_251 = arith.constant 0 : i32
      %dma_start3A_252 = arith.constant 0 : i32
      %dma_start3A_253 = tpu.memref_slice %arg3[%dma_start3A_251, %dma_start3A_252] : memref<2600000x32xf32, #tpu.memory_space<hbm>> -> memref<2600000x32xf32, #tpu.memory_space<hbm>>
      tpu.enqueue_indirect_dma source(%dma_start3A_253 : memref<2600000x32xf32, #tpu.memory_space<hbm>>) target(%dma_start3A_250 : memref<16x32xf32, #tpu.memory_space<vmem>>) offsets(%add3A_248 : vector<16xi32>) semaphore(%arg12 : memref<!tpu.dma_semaphore, #tpu.memory_space<semaphore_mem>>)
      %scan3A_254 = arith.constant 0 : i32
      scf.yield %scan3A_254 : i32
    }
    %scan3A_65 = arith.constant 104 : i32
    %dma_wait3A_66 = arith.constant 0 : i32
    %dma_wait3A_67 = arith.constant 0 : i32
    %dma_wait3A_68 = tpu.memref_slice %arg3[%dma_wait3A_66, %dma_wait3A_67] : memref<2600000x32xf32, #tpu.memory_space<hbm>> -> memref<1664x32xf32, #tpu.memory_space<hbm>>
    %dma_wait3A_69 = arith.constant 0 : i32
    %dma_wait3A_70 = arith.constant 0 : i32
    %dma_wait3A_71 = tpu.memref_slice %arg3[%dma_wait3A_69, %dma_wait3A_70] : memref<2600000x32xf32, #tpu.memory_space<hbm>> -> memref<1664x32xf32, #tpu.memory_space<hbm>>
    tpu.wait_dma2 semaphore(%arg13 : memref<!tpu.dma_semaphore, #tpu.memory_space<semaphore_mem>>) src(%dma_wait3A_71 : memref<1664x32xf32, #tpu.memory_space<hbm>>) dst(%arg9 : memref<1664x32xf32, #tpu.memory_space<vmem>>)
    %add3A_72 = arith.constant 1664 : i32
    %add3A_73 = arith.addi %mul3A_2, %add3A_72 : i32
    %dma_start3A_74 = arith.constant 0 : i32
    %dma_start3A_75 = tpu.memref_slice %arg4[%add3A_73, %dma_start3A_74] : memref<425984x32xf32, #tpu.memory_space<hbm>> -> memref<1664x32xf32, #tpu.memory_space<hbm>>
    %dma_start3A_76 = arith.constant 0 : i32
    %dma_start3A_77 = tpu.memref_slice %arg4[%add3A_73, %dma_start3A_76] : memref<425984x32xf32, #tpu.memory_space<hbm>> -> memref<1664x32xf32, #tpu.memory_space<hbm>>
    tpu.enqueue_dma source(%arg9 : memref<1664x32xf32, #tpu.memory_space<vmem>>) target(%dma_start3A_77 : memref<1664x32xf32, #tpu.memory_space<hbm>>) target_semaphore(%arg15 : memref<!tpu.dma_semaphore, #tpu.memory_space<semaphore_mem>>)
    %dma_wait3A_78 = tpu.memref_slice %arg2[%add3A_52] : memref<425984xi32, #tpu.memory_space<hbm>> -> memref<1664xi32, #tpu.memory_space<hbm>>
    %dma_wait3A_79 = tpu.memref_slice %arg2[%add3A_52] : memref<425984xi32, #tpu.memory_space<hbm>> -> memref<1664xi32, #tpu.memory_space<hbm>>
    tpu.wait_dma2 semaphore(%arg11 : memref<!tpu.dma_semaphore, #tpu.memory_space<semaphore_mem>>) src(%dma_wait3A_79 : memref<1664xi32, #tpu.memory_space<hbm>>) dst(%arg6 : memref<1664xi32, #tpu.memory_space<vmem>>)
    %add3A_80 = arith.constant 6656 : i32
    %add3A_81 = arith.addi %mul3A_2, %add3A_80 : i32
    %dma_start3A_82 = tpu.memref_slice %arg2[%add3A_81] : memref<425984xi32, #tpu.memory_space<hbm>> -> memref<1664xi32, #tpu.memory_space<hbm>>
    %dma_start3A_83 = tpu.memref_slice %arg2[%add3A_81] : memref<425984xi32, #tpu.memory_space<hbm>> -> memref<1664xi32, #tpu.memory_space<hbm>>
    tpu.enqueue_dma source(%dma_start3A_83 : memref<1664xi32, #tpu.memory_space<hbm>>) target(%arg5 : memref<1664xi32, #tpu.memory_space<vmem>>) target_semaphore(%arg10 : memref<!tpu.dma_semaphore, #tpu.memory_space<semaphore_mem>>)
    %dma_wait3A_84 = arith.constant 0 : i32
    %dma_wait3A_85 = tpu.memref_slice %arg4[%add3A_73, %dma_wait3A_84] : memref<425984x32xf32, #tpu.memory_space<hbm>> -> memref<1664x32xf32, #tpu.memory_space<hbm>>
    %dma_wait3A_86 = arith.constant 0 : i32
    %dma_wait3A_87 = tpu.memref_slice %arg4[%add3A_73, %dma_wait3A_86] : memref<425984x32xf32, #tpu.memory_space<hbm>> -> memref<1664x32xf32, #tpu.memory_space<hbm>>
    tpu.wait_dma2 semaphore(%arg15 : memref<!tpu.dma_semaphore, #tpu.memory_space<semaphore_mem>>) src(%arg9 : memref<1664x32xf32, #tpu.memory_space<vmem>>) dst(%dma_wait3A_87 : memref<1664x32xf32, #tpu.memory_space<hbm>>)
    %scan3A_88 = arith.constant 0 : i32
    %scan3A_89 = arith.constant 0 : i32
    %scan3A_90 = arith.constant 104 : i32
    %scan3A_91 = arith.addi %scan3A_89, %scan3A_90 : i32
    %scan3A_92 = arith.constant 1 : i32
    %scan3A_93 = scf.for %scan3A_239 = %scan3A_89 to %scan3A_91 step %scan3A_92 iter_args(%scan3A_240 = %scan3A_88) -> (i32)  : i32 {
      %mul3A_241 = arith.constant 16 : i32
      %mul3A_242 = arith.muli %scan3A_239, %mul3A_241 : i32
      %get3A = arith.index_cast %mul3A_242 : i32 to index
      %get3A_243 = tpu.vector_load %arg6[%get3A] {strides = array<i32>} : memref<1664xi32, #tpu.memory_space<vmem>>, vector<16xi32>,
      %get3A_244 = vector.shape_cast %get3A_243 : vector<16xi32> to vector<16xi32>
      %get3A_245 = arith.index_cast %mul3A_242 : i32 to index
      %get3A_246 = tpu.vector_load %arg7[%get3A_245] {strides = array<i32>} : memref<1664xi32, #tpu.memory_space<vmem>>, vector<16xi32>,
      %get3A_247 = vector.shape_cast %get3A_246 : vector<16xi32> to vector<16xi32>
      %add3A_248 = arith.addi %get3A_244, %get3A_247 : vector<16xi32>
      %dma_start3A_249 = arith.constant 0 : i32
      %dma_start3A_250 = tpu.memref_slice %arg9[%mul3A_242, %dma_start3A_249] : memref<1664x32xf32, #tpu.memory_space<vmem>> -> memref<16x32xf32, #tpu.memory_space<vmem>>
      %dma_start3A_251 = arith.constant 0 : i32
      %dma_start3A_252 = arith.constant 0 : i32
      %dma_start3A_253 = tpu.memref_slice %arg3[%dma_start3A_251, %dma_start3A_252] : memref<2600000x32xf32, #tpu.memory_space<hbm>> -> memref<2600000x32xf32, #tpu.memory_space<hbm>>
      tpu.enqueue_indirect_dma source(%dma_start3A_253 : memref<2600000x32xf32, #tpu.memory_space<hbm>>) target(%dma_start3A_250 : memref<16x32xf32, #tpu.memory_space<vmem>>) offsets(%add3A_248 : vector<16xi32>) semaphore(%arg13 : memref<!tpu.dma_semaphore, #tpu.memory_space<semaphore_mem>>)
      %scan3A_254 = arith.constant 0 : i32
      scf.yield %scan3A_254 : i32
    }
    %scan3A_94 = arith.constant 104 : i32
    %dma_wait3A_95 = arith.constant 0 : i32
    %dma_wait3A_96 = arith.constant 0 : i32
    %dma_wait3A_97 = tpu.memref_slice %arg3[%dma_wait3A_95, %dma_wait3A_96] : memref<2600000x32xf32, #tpu.memory_space<hbm>> -> memref<1664x32xf32, #tpu.memory_space<hbm>>
    %dma_wait3A_98 = arith.constant 0 : i32
    %dma_wait3A_99 = arith.constant 0 : i32
    %dma_wait3A_100 = tpu.memref_slice %arg3[%dma_wait3A_98, %dma_wait3A_99] : memref<2600000x32xf32, #tpu.memory_space<hbm>> -> memref<1664x32xf32, #tpu.memory_space<hbm>>
    tpu.wait_dma2 semaphore(%arg12 : memref<!tpu.dma_semaphore, #tpu.memory_space<semaphore_mem>>) src(%dma_wait3A_100 : memref<1664x32xf32, #tpu.memory_space<hbm>>) dst(%arg8 : memref<1664x32xf32, #tpu.memory_space<vmem>>)
    %add3A_101 = arith.constant 3328 : i32
    %add3A_102 = arith.addi %mul3A_2, %add3A_101 : i32
    %dma_start3A_103 = arith.constant 0 : i32
    %dma_start3A_104 = tpu.memref_slice %arg4[%add3A_102, %dma_start3A_103] : memref<425984x32xf32, #tpu.memory_space<hbm>> -> memref<1664x32xf32, #tpu.memory_space<hbm>>
    %dma_start3A_105 = arith.constant 0 : i32
    %dma_start3A_106 = tpu.memref_slice %arg4[%add3A_102, %dma_start3A_105] : memref<425984x32xf32, #tpu.memory_space<hbm>> -> memref<1664x32xf32, #tpu.memory_space<hbm>>
    tpu.enqueue_dma source(%arg8 : memref<1664x32xf32, #tpu.memory_space<vmem>>) target(%dma_start3A_106 : memref<1664x32xf32, #tpu.memory_space<hbm>>) target_semaphore(%arg14 : memref<!tpu.dma_semaphore, #tpu.memory_space<semaphore_mem>>)
    %dma_wait3A_107 = tpu.memref_slice %arg2[%add3A_81] : memref<425984xi32, #tpu.memory_space<hbm>> -> memref<1664xi32, #tpu.memory_space<hbm>>
    %dma_wait3A_108 = tpu.memref_slice %arg2[%add3A_81] : memref<425984xi32, #tpu.memory_space<hbm>> -> memref<1664xi32, #tpu.memory_space<hbm>>
    tpu.wait_dma2 semaphore(%arg10 : memref<!tpu.dma_semaphore, #tpu.memory_space<semaphore_mem>>) src(%dma_wait3A_108 : memref<1664xi32, #tpu.memory_space<hbm>>) dst(%arg5 : memref<1664xi32, #tpu.memory_space<vmem>>)
    %add3A_109 = arith.constant 8320 : i32
    %add3A_110 = arith.addi %mul3A_2, %add3A_109 : i32
    %dma_start3A_111 = tpu.memref_slice %arg2[%add3A_110] : memref<425984xi32, #tpu.memory_space<hbm>> -> memref<1664xi32, #tpu.memory_space<hbm>>
    %dma_start3A_112 = tpu.memref_slice %arg2[%add3A_110] : memref<425984xi32, #tpu.memory_space<hbm>> -> memref<1664xi32, #tpu.memory_space<hbm>>
    tpu.enqueue_dma source(%dma_start3A_112 : memref<1664xi32, #tpu.memory_space<hbm>>) target(%arg6 : memref<1664xi32, #tpu.memory_space<vmem>>) target_semaphore(%arg11 : memref<!tpu.dma_semaphore, #tpu.memory_space<semaphore_mem>>)
    %dma_wait3A_113 = arith.constant 0 : i32
    %dma_wait3A_114 = tpu.memref_slice %arg4[%add3A_102, %dma_wait3A_113] : memref<425984x32xf32, #tpu.memory_space<hbm>> -> memref<1664x32xf32, #tpu.memory_space<hbm>>
    %dma_wait3A_115 = arith.constant 0 : i32
    %dma_wait3A_116 = tpu.memref_slice %arg4[%add3A_102, %dma_wait3A_115] : memref<425984x32xf32, #tpu.memory_space<hbm>> -> memref<1664x32xf32, #tpu.memory_space<hbm>>
    tpu.wait_dma2 semaphore(%arg14 : memref<!tpu.dma_semaphore, #tpu.memory_space<semaphore_mem>>) src(%arg8 : memref<1664x32xf32, #tpu.memory_space<vmem>>) dst(%dma_wait3A_116 : memref<1664x32xf32, #tpu.memory_space<hbm>>)
    %scan3A_117 = arith.constant 0 : i32
    %scan3A_118 = arith.constant 0 : i32
    %scan3A_119 = arith.constant 104 : i32
    %scan3A_120 = arith.addi %scan3A_118, %scan3A_119 : i32
    %scan3A_121 = arith.constant 1 : i32
    %scan3A_122 = scf.for %scan3A_239 = %scan3A_118 to %scan3A_120 step %scan3A_121 iter_args(%scan3A_240 = %scan3A_117) -> (i32)  : i32 {
      %mul3A_241 = arith.constant 16 : i32
      %mul3A_242 = arith.muli %scan3A_239, %mul3A_241 : i32
      %get3A = arith.index_cast %mul3A_242 : i32 to index
      %get3A_243 = tpu.vector_load %arg5[%get3A] {strides = array<i32>} : memref<1664xi32, #tpu.memory_space<vmem>>, vector<16xi32>,
      %get3A_244 = vector.shape_cast %get3A_243 : vector<16xi32> to vector<16xi32>
      %get3A_245 = arith.index_cast %mul3A_242 : i32 to index
      %get3A_246 = tpu.vector_load %arg7[%get3A_245] {strides = array<i32>} : memref<1664xi32, #tpu.memory_space<vmem>>, vector<16xi32>,
      %get3A_247 = vector.shape_cast %get3A_246 : vector<16xi32> to vector<16xi32>
      %add3A_248 = arith.addi %get3A_244, %get3A_247 : vector<16xi32>
      %dma_start3A_249 = arith.constant 0 : i32
      %dma_start3A_250 = tpu.memref_slice %arg8[%mul3A_242, %dma_start3A_249] : memref<1664x32xf32, #tpu.memory_space<vmem>> -> memref<16x32xf32, #tpu.memory_space<vmem>>
      %dma_start3A_251 = arith.constant 0 : i32
      %dma_start3A_252 = arith.constant 0 : i32
      %dma_start3A_253 = tpu.memref_slice %arg3[%dma_start3A_251, %dma_start3A_252] : memref<2600000x32xf32, #tpu.memory_space<hbm>> -> memref<2600000x32xf32, #tpu.memory_space<hbm>>
      tpu.enqueue_indirect_dma source(%dma_start3A_253 : memref<2600000x32xf32, #tpu.memory_space<hbm>>) target(%dma_start3A_250 : memref<16x32xf32, #tpu.memory_space<vmem>>) offsets(%add3A_248 : vector<16xi32>) semaphore(%arg12 : memref<!tpu.dma_semaphore, #tpu.memory_space<semaphore_mem>>)
      %scan3A_254 = arith.constant 0 : i32
      scf.yield %scan3A_254 : i32
    }
    %scan3A_123 = arith.constant 104 : i32
    %dma_wait3A_124 = arith.constant 0 : i32
    %dma_wait3A_125 = arith.constant 0 : i32
    %dma_wait3A_126 = tpu.memref_slice %arg3[%dma_wait3A_124, %dma_wait3A_125] : memref<2600000x32xf32, #tpu.memory_space<hbm>> -> memref<1664x32xf32, #tpu.memory_space<hbm>>
    %dma_wait3A_127 = arith.constant 0 : i32
    %dma_wait3A_128 = arith.constant 0 : i32
    %dma_wait3A_129 = tpu.memref_slice %arg3[%dma_wait3A_127, %dma_wait3A_128] : memref<2600000x32xf32, #tpu.memory_space<hbm>> -> memref<1664x32xf32, #tpu.memory_space<hbm>>
    tpu.wait_dma2 semaphore(%arg13 : memref<!tpu.dma_semaphore, #tpu.memory_space<semaphore_mem>>) src(%dma_wait3A_129 : memref<1664x32xf32, #tpu.memory_space<hbm>>) dst(%arg9 : memref<1664x32xf32, #tpu.memory_space<vmem>>)
    %add3A_130 = arith.constant 4992 : i32
    %add3A_131 = arith.addi %mul3A_2, %add3A_130 : i32
    %dma_start3A_132 = arith.constant 0 : i32
    %dma_start3A_133 = tpu.memref_slice %arg4[%add3A_131, %dma_start3A_132] : memref<425984x32xf32, #tpu.memory_space<hbm>> -> memref<1664x32xf32, #tpu.memory_space<hbm>>
    %dma_start3A_134 = arith.constant 0 : i32
    %dma_start3A_135 = tpu.memref_slice %arg4[%add3A_131, %dma_start3A_134] : memref<425984x32xf32, #tpu.memory_space<hbm>> -> memref<1664x32xf32, #tpu.memory_space<hbm>>
    tpu.enqueue_dma source(%arg9 : memref<1664x32xf32, #tpu.memory_space<vmem>>) target(%dma_start3A_135 : memref<1664x32xf32, #tpu.memory_space<hbm>>) target_semaphore(%arg15 : memref<!tpu.dma_semaphore, #tpu.memory_space<semaphore_mem>>)
    %dma_wait3A_136 = tpu.memref_slice %arg2[%add3A_110] : memref<425984xi32, #tpu.memory_space<hbm>> -> memref<1664xi32, #tpu.memory_space<hbm>>
    %dma_wait3A_137 = tpu.memref_slice %arg2[%add3A_110] : memref<425984xi32, #tpu.memory_space<hbm>> -> memref<1664xi32, #tpu.memory_space<hbm>>
    tpu.wait_dma2 semaphore(%arg11 : memref<!tpu.dma_semaphore, #tpu.memory_space<semaphore_mem>>) src(%dma_wait3A_137 : memref<1664xi32, #tpu.memory_space<hbm>>) dst(%arg6 : memref<1664xi32, #tpu.memory_space<vmem>>)
    %add3A_138 = arith.constant 9984 : i32
    %add3A_139 = arith.addi %mul3A_2, %add3A_138 : i32
    %dma_start3A_140 = tpu.memref_slice %arg2[%add3A_139] : memref<425984xi32, #tpu.memory_space<hbm>> -> memref<1664xi32, #tpu.memory_space<hbm>>
    %dma_start3A_141 = tpu.memref_slice %arg2[%add3A_139] : memref<425984xi32, #tpu.memory_space<hbm>> -> memref<1664xi32, #tpu.memory_space<hbm>>
    tpu.enqueue_dma source(%dma_start3A_141 : memref<1664xi32, #tpu.memory_space<hbm>>) target(%arg5 : memref<1664xi32, #tpu.memory_space<vmem>>) target_semaphore(%arg10 : memref<!tpu.dma_semaphore, #tpu.memory_space<semaphore_mem>>)
    %dma_wait3A_142 = arith.constant 0 : i32
    %dma_wait3A_143 = tpu.memref_slice %arg4[%add3A_131, %dma_wait3A_142] : memref<425984x32xf32, #tpu.memory_space<hbm>> -> memref<1664x32xf32, #tpu.memory_space<hbm>>
    %dma_wait3A_144 = arith.constant 0 : i32
    %dma_wait3A_145 = tpu.memref_slice %arg4[%add3A_131, %dma_wait3A_144] : memref<425984x32xf32, #tpu.memory_space<hbm>> -> memref<1664x32xf32, #tpu.memory_space<hbm>>
    tpu.wait_dma2 semaphore(%arg15 : memref<!tpu.dma_semaphore, #tpu.memory_space<semaphore_mem>>) src(%arg9 : memref<1664x32xf32, #tpu.memory_space<vmem>>) dst(%dma_wait3A_145 : memref<1664x32xf32, #tpu.memory_space<hbm>>)
    %scan3A_146 = arith.constant 0 : i32
    %scan3A_147 = arith.constant 0 : i32
    %scan3A_148 = arith.constant 104 : i32
    %scan3A_149 = arith.addi %scan3A_147, %scan3A_148 : i32
    %scan3A_150 = arith.constant 1 : i32
    %scan3A_151 = scf.for %scan3A_239 = %scan3A_147 to %scan3A_149 step %scan3A_150 iter_args(%scan3A_240 = %scan3A_146) -> (i32)  : i32 {
      %mul3A_241 = arith.constant 16 : i32
      %mul3A_242 = arith.muli %scan3A_239, %mul3A_241 : i32
      %get3A = arith.index_cast %mul3A_242 : i32 to index
      %get3A_243 = tpu.vector_load %arg6[%get3A] {strides = array<i32>} : memref<1664xi32, #tpu.memory_space<vmem>>, vector<16xi32>,
      %get3A_244 = vector.shape_cast %get3A_243 : vector<16xi32> to vector<16xi32>
      %get3A_245 = arith.index_cast %mul3A_242 : i32 to index
      %get3A_246 = tpu.vector_load %arg7[%get3A_245] {strides = array<i32>} : memref<1664xi32, #tpu.memory_space<vmem>>, vector<16xi32>,
      %get3A_247 = vector.shape_cast %get3A_246 : vector<16xi32> to vector<16xi32>
      %add3A_248 = arith.addi %get3A_244, %get3A_247 : vector<16xi32>
      %dma_start3A_249 = arith.constant 0 : i32
      %dma_start3A_250 = tpu.memref_slice %arg9[%mul3A_242, %dma_start3A_249] : memref<1664x32xf32, #tpu.memory_space<vmem>> -> memref<16x32xf32, #tpu.memory_space<vmem>>
      %dma_start3A_251 = arith.constant 0 : i32
      %dma_start3A_252 = arith.constant 0 : i32
      %dma_start3A_253 = tpu.memref_slice %arg3[%dma_start3A_251, %dma_start3A_252] : memref<2600000x32xf32, #tpu.memory_space<hbm>> -> memref<2600000x32xf32, #tpu.memory_space<hbm>>
      tpu.enqueue_indirect_dma source(%dma_start3A_253 : memref<2600000x32xf32, #tpu.memory_space<hbm>>) target(%dma_start3A_250 : memref<16x32xf32, #tpu.memory_space<vmem>>) offsets(%add3A_248 : vector<16xi32>) semaphore(%arg13 : memref<!tpu.dma_semaphore, #tpu.memory_space<semaphore_mem>>)
      %scan3A_254 = arith.constant 0 : i32
      scf.yield %scan3A_254 : i32
    }
    %scan3A_152 = arith.constant 104 : i32
    %dma_wait3A_153 = arith.constant 0 : i32
    %dma_wait3A_154 = arith.constant 0 : i32
    %dma_wait3A_155 = tpu.memref_slice %arg3[%dma_wait3A_153, %dma_wait3A_154] : memref<2600000x32xf32, #tpu.memory_space<hbm>> -> memref<1664x32xf32, #tpu.memory_space<hbm>>
    %dma_wait3A_156 = arith.constant 0 : i32
    %dma_wait3A_157 = arith.constant 0 : i32
    %dma_wait3A_158 = tpu.memref_slice %arg3[%dma_wait3A_156, %dma_wait3A_157] : memref<2600000x32xf32, #tpu.memory_space<hbm>> -> memref<1664x32xf32, #tpu.memory_space<hbm>>
    tpu.wait_dma2 semaphore(%arg12 : memref<!tpu.dma_semaphore, #tpu.memory_space<semaphore_mem>>) src(%dma_wait3A_158 : memref<1664x32xf32, #tpu.memory_space<hbm>>) dst(%arg8 : memref<1664x32xf32, #tpu.memory_space<vmem>>)
    %add3A_159 = arith.constant 6656 : i32
    %add3A_160 = arith.addi %mul3A_2, %add3A_159 : i32
    %dma_start3A_161 = arith.constant 0 : i32
    %dma_start3A_162 = tpu.memref_slice %arg4[%add3A_160, %dma_start3A_161] : memref<425984x32xf32, #tpu.memory_space<hbm>> -> memref<1664x32xf32, #tpu.memory_space<hbm>>
    %dma_start3A_163 = arith.constant 0 : i32
    %dma_start3A_164 = tpu.memref_slice %arg4[%add3A_160, %dma_start3A_163] : memref<425984x32xf32, #tpu.memory_space<hbm>> -> memref<1664x32xf32, #tpu.memory_space<hbm>>
    tpu.enqueue_dma source(%arg8 : memref<1664x32xf32, #tpu.memory_space<vmem>>) target(%dma_start3A_164 : memref<1664x32xf32, #tpu.memory_space<hbm>>) target_semaphore(%arg14 : memref<!tpu.dma_semaphore, #tpu.memory_space<semaphore_mem>>)
    %dma_wait3A_165 = tpu.memref_slice %arg2[%add3A_139] : memref<425984xi32, #tpu.memory_space<hbm>> -> memref<1664xi32, #tpu.memory_space<hbm>>
    %dma_wait3A_166 = tpu.memref_slice %arg2[%add3A_139] : memref<425984xi32, #tpu.memory_space<hbm>> -> memref<1664xi32, #tpu.memory_space<hbm>>
    tpu.wait_dma2 semaphore(%arg10 : memref<!tpu.dma_semaphore, #tpu.memory_space<semaphore_mem>>) src(%dma_wait3A_166 : memref<1664xi32, #tpu.memory_space<hbm>>) dst(%arg5 : memref<1664xi32, #tpu.memory_space<vmem>>)
    %add3A_167 = arith.constant 11648 : i32
    %add3A_168 = arith.addi %mul3A_2, %add3A_167 : i32
    %dma_start3A_169 = tpu.memref_slice %arg2[%add3A_168] : memref<425984xi32, #tpu.memory_space<hbm>> -> memref<1664xi32, #tpu.memory_space<hbm>>
    %dma_start3A_170 = tpu.memref_slice %arg2[%add3A_168] : memref<425984xi32, #tpu.memory_space<hbm>> -> memref<1664xi32, #tpu.memory_space<hbm>>
    tpu.enqueue_dma source(%dma_start3A_170 : memref<1664xi32, #tpu.memory_space<hbm>>) target(%arg6 : memref<1664xi32, #tpu.memory_space<vmem>>) target_semaphore(%arg11 : memref<!tpu.dma_semaphore, #tpu.memory_space<semaphore_mem>>)
    %dma_wait3A_171 = arith.constant 0 : i32
    %dma_wait3A_172 = tpu.memref_slice %arg4[%add3A_160, %dma_wait3A_171] : memref<425984x32xf32, #tpu.memory_space<hbm>> -> memref<1664x32xf32, #tpu.memory_space<hbm>>
    %dma_wait3A_173 = arith.constant 0 : i32
    %dma_wait3A_174 = tpu.memref_slice %arg4[%add3A_160, %dma_wait3A_173] : memref<425984x32xf32, #tpu.memory_space<hbm>> -> memref<1664x32xf32, #tpu.memory_space<hbm>>
    tpu.wait_dma2 semaphore(%arg14 : memref<!tpu.dma_semaphore, #tpu.memory_space<semaphore_mem>>) src(%arg8 : memref<1664x32xf32, #tpu.memory_space<vmem>>) dst(%dma_wait3A_174 : memref<1664x32xf32, #tpu.memory_space<hbm>>)
    %scan3A_175 = arith.constant 0 : i32
    %scan3A_176 = arith.constant 0 : i32
    %scan3A_177 = arith.constant 104 : i32
    %scan3A_178 = arith.addi %scan3A_176, %scan3A_177 : i32
    %scan3A_179 = arith.constant 1 : i32
    %scan3A_180 = scf.for %scan3A_239 = %scan3A_176 to %scan3A_178 step %scan3A_179 iter_args(%scan3A_240 = %scan3A_175) -> (i32)  : i32 {
      %mul3A_241 = arith.constant 16 : i32
      %mul3A_242 = arith.muli %scan3A_239, %mul3A_241 : i32
      %get3A = arith.index_cast %mul3A_242 : i32 to index
      %get3A_243 = tpu.vector_load %arg5[%get3A] {strides = array<i32>} : memref<1664xi32, #tpu.memory_space<vmem>>, vector<16xi32>,
      %get3A_244 = vector.shape_cast %get3A_243 : vector<16xi32> to vector<16xi32>
      %get3A_245 = arith.index_cast %mul3A_242 : i32 to index
      %get3A_246 = tpu.vector_load %arg7[%get3A_245] {strides = array<i32>} : memref<1664xi32, #tpu.memory_space<vmem>>, vector<16xi32>,
      %get3A_247 = vector.shape_cast %get3A_246 : vector<16xi32> to vector<16xi32>
      %add3A_248 = arith.addi %get3A_244, %get3A_247 : vector<16xi32>
      %dma_start3A_249 = arith.constant 0 : i32
      %dma_start3A_250 = tpu.memref_slice %arg8[%mul3A_242, %dma_start3A_249] : memref<1664x32xf32, #tpu.memory_space<vmem>> -> memref<16x32xf32, #tpu.memory_space<vmem>>
      %dma_start3A_251 = arith.constant 0 : i32
      %dma_start3A_252 = arith.constant 0 : i32
      %dma_start3A_253 = tpu.memref_slice %arg3[%dma_start3A_251, %dma_start3A_252] : memref<2600000x32xf32, #tpu.memory_space<hbm>> -> memref<2600000x32xf32, #tpu.memory_space<hbm>>
      tpu.enqueue_indirect_dma source(%dma_start3A_253 : memref<2600000x32xf32, #tpu.memory_space<hbm>>) target(%dma_start3A_250 : memref<16x32xf32, #tpu.memory_space<vmem>>) offsets(%add3A_248 : vector<16xi32>) semaphore(%arg12 : memref<!tpu.dma_semaphore, #tpu.memory_space<semaphore_mem>>)
      %scan3A_254 = arith.constant 0 : i32
      scf.yield %scan3A_254 : i32
    }
    %scan3A_181 = arith.constant 104 : i32
    %dma_wait3A_182 = arith.constant 0 : i32
    %dma_wait3A_183 = arith.constant 0 : i32
    %dma_wait3A_184 = tpu.memref_slice %arg3[%dma_wait3A_182, %dma_wait3A_183] : memref<2600000x32xf32, #tpu.memory_space<hbm>> -> memref<1664x32xf32, #tpu.memory_space<hbm>>
    %dma_wait3A_185 = arith.constant 0 : i32
    %dma_wait3A_186 = arith.constant 0 : i32
    %dma_wait3A_187 = tpu.memref_slice %arg3[%dma_wait3A_185, %dma_wait3A_186] : memref<2600000x32xf32, #tpu.memory_space<hbm>> -> memref<1664x32xf32, #tpu.memory_space<hbm>>
    tpu.wait_dma2 semaphore(%arg13 : memref<!tpu.dma_semaphore, #tpu.memory_space<semaphore_mem>>) src(%dma_wait3A_187 : memref<1664x32xf32, #tpu.memory_space<hbm>>) dst(%arg9 : memref<1664x32xf32, #tpu.memory_space<vmem>>)
    %add3A_188 = arith.constant 8320 : i32
    %add3A_189 = arith.addi %mul3A_2, %add3A_188 : i32
    %dma_start3A_190 = arith.constant 0 : i32
    %dma_start3A_191 = tpu.memref_slice %arg4[%add3A_189, %dma_start3A_190] : memref<425984x32xf32, #tpu.memory_space<hbm>> -> memref<1664x32xf32, #tpu.memory_space<hbm>>
    %dma_start3A_192 = arith.constant 0 : i32
    %dma_start3A_193 = tpu.memref_slice %arg4[%add3A_189, %dma_start3A_192] : memref<425984x32xf32, #tpu.memory_space<hbm>> -> memref<1664x32xf32, #tpu.memory_space<hbm>>
    tpu.enqueue_dma source(%arg9 : memref<1664x32xf32, #tpu.memory_space<vmem>>) target(%dma_start3A_193 : memref<1664x32xf32, #tpu.memory_space<hbm>>) target_semaphore(%arg15 : memref<!tpu.dma_semaphore, #tpu.memory_space<semaphore_mem>>)
    %dma_wait3A_194 = tpu.memref_slice %arg2[%add3A_168] : memref<425984xi32, #tpu.memory_space<hbm>> -> memref<1664xi32, #tpu.memory_space<hbm>>
    %dma_wait3A_195 = tpu.memref_slice %arg2[%add3A_168] : memref<425984xi32, #tpu.memory_space<hbm>> -> memref<1664xi32, #tpu.memory_space<hbm>>
    tpu.wait_dma2 semaphore(%arg11 : memref<!tpu.dma_semaphore, #tpu.memory_space<semaphore_mem>>) src(%dma_wait3A_195 : memref<1664xi32, #tpu.memory_space<hbm>>) dst(%arg6 : memref<1664xi32, #tpu.memory_space<vmem>>)
    %dma_wait3A_196 = arith.constant 0 : i32
    %dma_wait3A_197 = tpu.memref_slice %arg4[%add3A_189, %dma_wait3A_196] : memref<425984x32xf32, #tpu.memory_space<hbm>> -> memref<1664x32xf32, #tpu.memory_space<hbm>>
    %dma_wait3A_198 = arith.constant 0 : i32
    %dma_wait3A_199 = tpu.memref_slice %arg4[%add3A_189, %dma_wait3A_198] : memref<425984x32xf32, #tpu.memory_space<hbm>> -> memref<1664x32xf32, #tpu.memory_space<hbm>>
    tpu.wait_dma2 semaphore(%arg15 : memref<!tpu.dma_semaphore, #tpu.memory_space<semaphore_mem>>) src(%arg9 : memref<1664x32xf32, #tpu.memory_space<vmem>>) dst(%dma_wait3A_199 : memref<1664x32xf32, #tpu.memory_space<hbm>>)
    %scan3A_200 = arith.constant 0 : i32
    %scan3A_201 = arith.constant 0 : i32
    %scan3A_202 = arith.constant 104 : i32
    %scan3A_203 = arith.addi %scan3A_201, %scan3A_202 : i32
    %scan3A_204 = arith.constant 1 : i32
    %scan3A_205 = scf.for %scan3A_239 = %scan3A_201 to %scan3A_203 step %scan3A_204 iter_args(%scan3A_240 = %scan3A_200) -> (i32)  : i32 {
      %mul3A_241 = arith.constant 16 : i32
      %mul3A_242 = arith.muli %scan3A_239, %mul3A_241 : i32
      %get3A = arith.index_cast %mul3A_242 : i32 to index
      %get3A_243 = tpu.vector_load %arg6[%get3A] {strides = array<i32>} : memref<1664xi32, #tpu.memory_space<vmem>>, vector<16xi32>,
      %get3A_244 = vector.shape_cast %get3A_243 : vector<16xi32> to vector<16xi32>
      %get3A_245 = arith.index_cast %mul3A_242 : i32 to index
      %get3A_246 = tpu.vector_load %arg7[%get3A_245] {strides = array<i32>} : memref<1664xi32, #tpu.memory_space<vmem>>, vector<16xi32>,
      %get3A_247 = vector.shape_cast %get3A_246 : vector<16xi32> to vector<16xi32>
      %add3A_248 = arith.addi %get3A_244, %get3A_247 : vector<16xi32>
      %dma_start3A_249 = arith.constant 0 : i32
      %dma_start3A_250 = tpu.memref_slice %arg9[%mul3A_242, %dma_start3A_249] : memref<1664x32xf32, #tpu.memory_space<vmem>> -> memref<16x32xf32, #tpu.memory_space<vmem>>
      %dma_start3A_251 = arith.constant 0 : i32
      %dma_start3A_252 = arith.constant 0 : i32
      %dma_start3A_253 = tpu.memref_slice %arg3[%dma_start3A_251, %dma_start3A_252] : memref<2600000x32xf32, #tpu.memory_space<hbm>> -> memref<2600000x32xf32, #tpu.memory_space<hbm>>
      tpu.enqueue_indirect_dma source(%dma_start3A_253 : memref<2600000x32xf32, #tpu.memory_space<hbm>>) target(%dma_start3A_250 : memref<16x32xf32, #tpu.memory_space<vmem>>) offsets(%add3A_248 : vector<16xi32>) semaphore(%arg13 : memref<!tpu.dma_semaphore, #tpu.memory_space<semaphore_mem>>)
      %scan3A_254 = arith.constant 0 : i32
      scf.yield %scan3A_254 : i32
    }
    %scan3A_206 = arith.constant 104 : i32
    %dma_wait3A_207 = arith.constant 0 : i32
    %dma_wait3A_208 = arith.constant 0 : i32
    %dma_wait3A_209 = tpu.memref_slice %arg3[%dma_wait3A_207, %dma_wait3A_208] : memref<2600000x32xf32, #tpu.memory_space<hbm>> -> memref<1664x32xf32, #tpu.memory_space<hbm>>
    %dma_wait3A_210 = arith.constant 0 : i32
    %dma_wait3A_211 = arith.constant 0 : i32
    %dma_wait3A_212 = tpu.memref_slice %arg3[%dma_wait3A_210, %dma_wait3A_211] : memref<2600000x32xf32, #tpu.memory_space<hbm>> -> memref<1664x32xf32, #tpu.memory_space<hbm>>
    tpu.wait_dma2 semaphore(%arg12 : memref<!tpu.dma_semaphore, #tpu.memory_space<semaphore_mem>>) src(%dma_wait3A_212 : memref<1664x32xf32, #tpu.memory_space<hbm>>) dst(%arg8 : memref<1664x32xf32, #tpu.memory_space<vmem>>)
    %add3A_213 = arith.constant 9984 : i32
    %add3A_214 = arith.addi %mul3A_2, %add3A_213 : i32
    %dma_start3A_215 = arith.constant 0 : i32
    %dma_start3A_216 = tpu.memref_slice %arg4[%add3A_214, %dma_start3A_215] : memref<425984x32xf32, #tpu.memory_space<hbm>> -> memref<1664x32xf32, #tpu.memory_space<hbm>>
    %dma_start3A_217 = arith.constant 0 : i32
    %dma_start3A_218 = tpu.memref_slice %arg4[%add3A_214, %dma_start3A_217] : memref<425984x32xf32, #tpu.memory_space<hbm>> -> memref<1664x32xf32, #tpu.memory_space<hbm>>
    tpu.enqueue_dma source(%arg8 : memref<1664x32xf32, #tpu.memory_space<vmem>>) target(%dma_start3A_218 : memref<1664x32xf32, #tpu.memory_space<hbm>>) target_semaphore(%arg14 : memref<!tpu.dma_semaphore, #tpu.memory_space<semaphore_mem>>)
    %dma_wait3A_219 = arith.constant 0 : i32
    %dma_wait3A_220 = arith.constant 0 : i32
    %dma_wait3A_221 = tpu.memref_slice %arg3[%dma_wait3A_219, %dma_wait3A_220] : memref<2600000x32xf32, #tpu.memory_space<hbm>> -> memref<1664x32xf32, #tpu.memory_space<hbm>>
    %dma_wait3A_222 = arith.constant 0 : i32
    %dma_wait3A_223 = arith.constant 0 : i32
    %dma_wait3A_224 = tpu.memref_slice %arg3[%dma_wait3A_222, %dma_wait3A_223] : memref<2600000x32xf32, #tpu.memory_space<hbm>> -> memref<1664x32xf32, #tpu.memory_space<hbm>>
    tpu.wait_dma2 semaphore(%arg13 : memref<!tpu.dma_semaphore, #tpu.memory_space<semaphore_mem>>) src(%dma_wait3A_224 : memref<1664x32xf32, #tpu.memory_space<hbm>>) dst(%arg9 : memref<1664x32xf32, #tpu.memory_space<vmem>>)
    %add3A_225 = arith.constant 11648 : i32
    %add3A_226 = arith.addi %mul3A_2, %add3A_225 : i32
    %dma_start3A_227 = arith.constant 0 : i32
    %dma_start3A_228 = tpu.memref_slice %arg4[%add3A_226, %dma_start3A_227] : memref<425984x32xf32, #tpu.memory_space<hbm>> -> memref<1664x32xf32, #tpu.memory_space<hbm>>
    %dma_start3A_229 = arith.constant 0 : i32
    %dma_start3A_230 = tpu.memref_slice %arg4[%add3A_226, %dma_start3A_229] : memref<425984x32xf32, #tpu.memory_space<hbm>> -> memref<1664x32xf32, #tpu.memory_space<hbm>>
    tpu.enqueue_dma source(%arg9 : memref<1664x32xf32, #tpu.memory_space<vmem>>) target(%dma_start3A_230 : memref<1664x32xf32, #tpu.memory_space<hbm>>) target_semaphore(%arg15 : memref<!tpu.dma_semaphore, #tpu.memory_space<semaphore_mem>>)
    %dma_wait3A_231 = arith.constant 0 : i32
    %dma_wait3A_232 = tpu.memref_slice %arg4[%add3A_214, %dma_wait3A_231] : memref<425984x32xf32, #tpu.memory_space<hbm>> -> memref<1664x32xf32, #tpu.memory_space<hbm>>
    %dma_wait3A_233 = arith.constant 0 : i32
    %dma_wait3A_234 = tpu.memref_slice %arg4[%add3A_214, %dma_wait3A_233] : memref<425984x32xf32, #tpu.memory_space<hbm>> -> memref<1664x32xf32, #tpu.memory_space<hbm>>
    tpu.wait_dma2 semaphore(%arg14 : memref<!tpu.dma_semaphore, #tpu.memory_space<semaphore_mem>>) src(%arg8 : memref<1664x32xf32, #tpu.memory_space<vmem>>) dst(%dma_wait3A_234 : memref<1664x32xf32, #tpu.memory_space<hbm>>)
    %dma_wait3A_235 = arith.constant 0 : i32
    %dma_wait3A_236 = tpu.memref_slice %arg4[%add3A_226, %dma_wait3A_235] : memref<425984x32xf32, #tpu.memory_space<hbm>> -> memref<1664x32xf32, #tpu.memory_space<hbm>>
    %dma_wait3A_237 = arith.constant 0 : i32
    %dma_wait3A_238 = tpu.memref_slice %arg4[%add3A_226, %dma_wait3A_237] : memref<425984x32xf32, #tpu.memory_space<hbm>> -> memref<1664x32xf32, #tpu.memory_space<hbm>>
    tpu.wait_dma2 semaphore(%arg15 : memref<!tpu.dma_semaphore, #tpu.memory_space<semaphore_mem>>) src(%arg9 : memref<1664x32xf32, #tpu.memory_space<vmem>>) dst(%dma_wait3A_238 : memref<1664x32xf32, #tpu.memory_space<hbm>>)
    return
  }
}

</mosaic_0001>

<sc_bundles>
// kernel: kernel.3.cloned.1.call-start
scs
__scs_entry_jumppad:
0x0: {  	(pc) =	sbr.rel $0x88, $3  }
0x1: {  	(tag) =	ssettag $0x0;
	lr =	simm.s32 $0x1  }
0x2: {  	[smem:$0x3F9F] =	sst lr;
	_ =	strace $0xD0000000  }
0x3: {  	_ = 	snop  }
0x4: {  	_ = 	snop  }
0x5: {  	_ = 	snop  }
0x6: {  	_ = 	snop  }
0x7: {  	_ = 	snop  }
__scs_overlays_trampoline_lowered:
0x8: {  	[smem:$0x3FAE] =	sst s0  }
0x9: {  	[smem:$0x3FAF] =	sst s1  }
0xa: {  	[smem:$0x3FB0] =	sst s2  }
0xb: {  	[smem:$0x3FB1] =	sst s3  }
0xc: {  	[smem:$0x3FB2] =	sst s4  }
0xd: {  	[smem:$0x3FB3] =	sst s5  }
0xe: {  	[smem:$0x3FB4] =	sst s6  }
0xf: {  	[smem:$0x3FB5] =	sst s7  }
0x10: {  	[smem:$0x3FB6] =	sst s8  }
0x11: {  	[smem:$0x3FB7] =	sst s9;
	s0 =	simm.s32 @!p0 $0x0  }
0x12: {  	s1 =	sld [smem:$0x3F9D];
	s0 =	simm.s32 @p0 $0x1  }
0x13: {  	[smem:$0x3FB8] =	sst s0;
	s0 =	simm.s32 @!p1 $0x0  }
0x14: {  	s2 =	sld [smem:$0x3F9C];
	s0 =	simm.s32 @p1 $0x1  }
0x15: {  	[smem:$0x3FB9] =	sst s0;
	s0 =	simm.s32 @!p2 $0x0  }
0x16: {  	s3 =	sld [smem:$0x3FDB];
	s0 =	simm.s32 @p2 $0x1  }
0x17: {  	s4 =	simm.s32 $0x1BF5;
	[smem:$0x3FBB] =	sst s0  }
0x18: {  	s0 =	sld [smem:$0x3F9E];
	_ =	swait.ge [sflag:s4], $0x0  }
0x19: {  	s7 =	sld [smem:$0x3F9F]  }
0x1a: {  	s8 =	sadd.s32 $0xFFFFE003, lr  }
0x1b: {  	s9 =	sadd.s32 $0xFFFFFEF7, lr;
	s5 =	simm.s32 $0xFFFFFFFF;
	p2 =	slt.u32 s8, $0xFFFFF086  }
0x1c: {  	p1 =	slt.u32 s9, $0xF7A;
	s5 =	simm.s32 @!p2 $0x0  }
0x1d: {  	s5 =	simm.s32 @p1 $0x1;
	p0 =	seq.s32 s7, s2  }
0x1e: {  	s7 =	smul.u32 @!p0 $0xF7A, s2;
	p2 =	seq.s32 @!p0 s5, $0x0  }
0x1f: {  	s9 =	smul.u32 $0xF7A, s1;
	s8 =	simm.s32 @!p0 $0x1BF5;
	p2 =	por !p2, p0  }
0x20: {  	[sflag:s8] =	ssyncset.s32 @!p0 $0xFFFFF086;
	s6 =	sadd.s32 @!p0 s3, s7;
	s7 =	simm.s32 @!p0 $0x108  }
0x21: {  	s3 =	sadd.s32 s3, s9;
	s6 =	sadd.s32 @!p0 $0x88, s6;
	s7 =	simm.s32 @p2 $0x1082  }
0x22: {  	[simem:s7], [sflag:s8] =	dma.local @!p0 [hbm:s6], $0xF7A  }
0x23: {  	s9 =	sor.u32 $0xD0000000, s2;
	s6 =	simm.s32 $0x108;
	_ =	swait.ge @!p0 [sflag:s8], $0x0  }
0x24: {  	s3 =	sadd.s32 $0x88, s3;
	s6 =	simm.s32 @!p1 $0x1082;
	[sflag:s4] =	ssyncset.s32 $0xFFFFF086  }
0x25: {  	[simem:s6], [sflag:s4] =	dma.local [hbm:s3], $0xF7A  }
0x26: {  	[smem:$0x3F9F] =	sst s1;
	(tag) =	ssettag s2;
	_ =	strace s9  }
0x27: {  	s1 =	sld [smem:$0x3FAF]  }
0x28: {  	s2 =	sld [smem:$0x3FB0]  }
0x29: {  	s4 =	sld [smem:$0x3FB2]  }
0x2a: {  	p0 =	seq.s32 s5, $0x0;
	s5 =	sld [smem:$0x3FB3]  }
0x2b: {  	s6 =	sld [smem:$0x3FB4]  }
0x2c: {  	s7 =	sld [smem:$0x3FB5]  }
0x2d: {  	s3 =	simm.s32 $0x108;
	s8 =	sld [smem:$0x3FB6]  }
0x2e: {  	s3 =	simm.s32 @!p0 $0x1082;
	s9 =	sld [smem:$0x3FB7]  }
0x2f: {  	lr =	sadd.s32 s0, s3;
	s0 =	sld [smem:$0x3FAE]  }
0x30: {  	s3 =	sld [smem:$0x3FB1]  }
0x31: {  	[smem:$0x3FBA] =	sst s10  }
0x32: {  	s10 =	sld [smem:$0x3FB8];
	_ =	sdelay $0x3  }
0x33: {  	p0 =	seq.s32 s10, $0x1;
	s10 =	sld [smem:$0x3FBA];
	_ =	sdelay $0x3  }
0x34: {  	[smem:$0x3FBA] =	sst s10  }
0x35: {  	s10 =	sld [smem:$0x3FB9];
	_ =	sdelay $0x3  }
0x36: {  	p1 =	seq.s32 s10, $0x1;
	s10 =	sld [smem:$0x3FBA];
	_ =	sdelay $0x3  }
0x37: {  	[smem:$0x3FBA] =	sst s10  }
0x38: {  	s10 =	sld [smem:$0x3FBB]  }
0x39: {  	_ = 	snop;
	(pc) =	sbr.ind lr, $3  }
0x3a: {  	_ = 	snop  }
0x3b: {  	_ = 	snop  }
0x3c: {  	p2 =	seq.s32 s10, $0x1;
	s10 =	sld [smem:$0x3FBA]  }
0x3d: {  	_ =	shalt  }
0x3e: {  	_ =	shalt  }
0x3f: {  	_ =	shalt  }
0x40: {  	_ =	shalt  }
0x41: {  	_ =	shalt  }
0x42: {  	_ =	shalt  }
0x43: {  	_ =	shalt  }
0x44: {  	_ =	shalt  }
0x45: {  	_ =	shalt  }
0x46: {  	_ =	shalt  }
0x47: {  	_ =	shalt  }
0x48: {  	_ =	shalt  }
0x49: {  	_ =	shalt  }
0x4a: {  	_ =	shalt  }
0x4b: {  	_ =	shalt  }
0x4c: {  	_ =	shalt  }
0x4d: {  	_ =	shalt  }
0x4e: {  	_ =	shalt  }
0x4f: {  	_ =	shalt  }
0x50: {  	_ =	shalt  }
0x51: {  	_ =	shalt  }
0x52: {  	_ =	shalt  }
0x53: {  	_ =	shalt  }
0x54: {  	_ =	shalt  }
0x55: {  	_ =	shalt  }
0x56: {  	_ =	shalt  }
0x57: {  	_ =	shalt  }
0x58: {  	_ =	shalt  }
0x59: {  	_ =	shalt  }
0x5a: {  	_ =	shalt  }
0x5b: {  	_ =	shalt  }
0x5c: {  	_ =	shalt  }
0x5d: {  	_ =	shalt  }
0x5e: {  	_ =	shalt  }
0x5f: {  	_ =	shalt  }
0x60: {  	_ =	shalt  }
0x61: {  	_ =	shalt  }
0x62: {  	_ =	shalt  }
0x63: {  	_ =	shalt  }
0x64: {  	_ =	shalt  }
0x65: {  	_ =	shalt  }
0x66: {  	_ =	shalt  }
0x67: {  	_ =	shalt  }
0x68: {  	_ =	shalt  }
0x69: {  	_ =	shalt  }
0x6a: {  	_ =	shalt  }
0x6b: {  	_ =	shalt  }
0x6c: {  	_ =	shalt  }
0x6d: {  	_ =	shalt  }
0x6e: {  	_ =	shalt  }
0x6f: {  	_ =	shalt  }
0x70: {  	_ =	shalt  }
0x71: {  	_ =	shalt  }
0x72: {  	_ =	shalt  }
0x73: {  	_ =	shalt  }
0x74: {  	_ =	shalt  }
0x75: {  	_ =	shalt  }
0x76: {  	_ =	shalt  }
0x77: {  	_ =	shalt  }
0x78: {  	_ =	shalt  }
0x79: {  	_ =	shalt  }
0x7a: {  	_ =	shalt  }
0x7b: {  	_ =	shalt  }
0x7c: {  	_ =	shalt  }
0x7d: {  	_ =	shalt  }
0x7e: {  	_ =	shalt  }
0x7f: {  	_ =	shalt  }
0x80: {  	_ =	shalt  }
0x81: {  	_ =	shalt  }
0x82: {  	_ =	shalt  }
0x83: {  	_ =	shalt  }
0x84: {  	_ =	shalt  }
0x85: {  	_ =	shalt  }
0x86: {  	_ =	shalt  }
0x87: {  	_ =	shalt  }
.Lfunc_end0:
.L_simem_size_0:
called_computation.1_lowered:
.L_overlay_start_0:
0x88: {  	s2 =	sld [smem:$0x3FD9]  }
0x89: {  	s3 =	sld [smem:$0x3FFE];
	_ =	sdelay $0x1  }
0x8a: {  	s1 =	srdreg.scid  }
0x8b: {  	s0 =	sand.u32 $0x1, s1  }
0x8c: {  	s17 =	sshll.u32 s0, $0xA;
	s2 =	sadd.s32 s3, s2  }
0x8d: {  	s2 =	sadd.s32 s2, s17  }
0x8e: {  	[smem:$0x3FC6] =	sst s2  }
0x8f: {  	_ = 	snop  }
0x90: {  	s2 =	sld [smem:$0x3FD0];
	(tm) =	ssettm $0x1  }
0x91: {  	s18 =	sld [smem:$0x3FFB];
	_ =	sdelay $0x3  }
0x92: {  	_ =	strace s18  }
0x93: {  	s3 =	sld [smem:$0x3FFC];
	_ =	sdelay $0x3  }
0x94: {  	_ =	strace s3  }
0x95: {  	s3 =	sld [smem:$0x3FFD];
	_ =	sdelay $0x3  }
0x96: {  	_ =	strace s3  }
0x97: {  	_ =	strace $0x8FFFFFFF  }
0x98: {  	s19 =	sld [smem:$0x3FDB];
	_ =	sdelay $0x1  }
0x99: {  	s4 =	simm.s32 $_scs_section_size  }
0x9a: {  	s5 =	simm.s32 $_size__tile_overlayer_lowered;
	s6 =	simm.s32 $_tile_overlayer_lowered  }
0x9b: {  	s22 =	simm.s32 $0x1BFF;
	s21 =	sshll.u32 s6, $0x1;
	s3 =	sadd.s32 s4, s19  }
0x9c: {  	s7 =	simm.s32 $0x0;
	s20 =	sshll.u32 s5, $0x1;
	s5 =	sadd.s32 s21, s3  }
0x9d: {  	[timem:s7], [sflag:s22] =	dma.local [hbm:s5], s20  }
0x9e: {  	_ =	swait.ge [sflag:s22], s20  }
0x9f: {  	s4 =	ssub.s32 $0x0, s20;
	[sflag:s22] =	ssyncset.done $0x0  }
0xa0: {  	[sflag:s22] =	ssyncadd.s32 s4;
	_ =	sdelay $0x1  }
0xa1: {  	s23 =	simm.s32 $0x1B8B  }
0xa2: {  	_ =	swait.ge [sflag:s23], $0x1  }
0xa3: {  	[sflag:s23] =	ssyncset.done $0x0  }
0xa4: {  	s25 =	simm.s32 $0x1B8E;
	s24 =	sld [smem:$0x3FFE];
	[sflag:s23] =	ssyncadd.s32 $0xFFFFFFFF  }
0xa5: {  	s26 =	simm.s32 $execute0_lowered;
	[smem:$0x3FD2] =	sst s25  }
0xa6: {  	s5 =	sshll.u32 s26, $0x1;
	_ =	strace $0x80000046;
	[dreg:$0x1] =	wrdreg $0xFFFFFFFF  }
0xa7: {  	s28 =	simm.s32 $_size_execute0_lowered;
	s3 =	sadd.s32 s3, s5;
	[dreg:$0x0] =	wrdreg $0x0  }
0xa8: {  	s5 =	sshll.u32 s28, $0x1;
	[dreg:$0x2] =	wrdreg s3  }
0xa9: {  	[dreg:$0x3] =	wrdreg s5  }
0xaa: {  	[dreg:$0x4] =	wrdreg $0xC0  }
0xab: {  	_ =	task [dreg:s7], $0x5FFFF  }
0xac: {  	[dreg:$0x1] =	wrdreg $0xFFFFFFFF  }
0xad: {  	[dreg:$0x0] =	wrdreg $0x60  }
0xae: {  	[dreg:$0x2] =	wrdreg s24  }
0xaf: {  	[dreg:$0x3] =	wrdreg s2  }
0xb0: {  	[dreg:$0x4] =	wrdreg $0x9  }
0xb1: {  	_ =	task.clear_ibuf [dreg:s7], $0x5FFFF;
	_ =	strace $0x90000046  }
0xb2: {  	s29 =	simm.s32 $0x9;
	_ =	strace $0x80000048  }
0xb3: {  	_ =	swait.ge [sflag:s29], $0x1  }
0xb4: {  	[sflag:s29] =	ssyncadd.s32 $0xFFFFFFFF  }
0xb5: {  	_ =	strace $0x90000048  }
0xb6: {  	_ =	sfence  }
0xb7: {  	s30 =	sld [smem:$0x0];
	_ =	sdelay $0x2  }
0xb8: {  	s31 =	sshll.u32 s1, $0xD;
	s1 =	sshrl.u32 s1, $0x2  }
0xb9: {  	s3 =	sand.u32 $0x4000, s31;
	s1 =	sadd.s32 s1, s30  }
0xba: {  	s0 =	sor.u32 s3, s0;
	s1 =	sshll.u32 s1, $0x11  }
0xbb: {  	s0 =	sor.u32 s1, s0  }
0xbc: {  	s0 =	sadd.s32 $0x8F2B, s0  }
0xbd: {  	[sflag:s0] =	ssyncadd.remote.s32 $0x1  }
0xbe: {  	_ =	sfence.sel $0xFFFF  }
0xbf: {  	[dreg:$0x0] =	wrdreg $0xFFFFFFFF;
	(pc) =	sbr.abs _section_cstart, $3  }
0xc0: {  	[dreg:$0x1] =	wrdreg $0xFFFFFFFF  }
0xc1: {  	_ =	task.clear_ibuf [dreg:s7], $0x2FFFF;
	_ =	strace $0x9FFFFFFF  }
0xc2: {  	(tm) =	ssettm $0x7FFFFFFF  }
0xc3: {  	_ =	shalt  }
tec
execute0_lowered:
.L_overlay_start_1:
0x0: {  	(tag) =	ssettag $0x1  }
0x1: {  	s0 =	rddreg [dreg:$0x0]  }
0x2: {  	s1 =	rddreg [dreg:$0x1]  }
0x3: {  	s3 =	srdreg.scid;
	s4 =	stileid.u32;
	s2 =	simm.s32 $0x0  }
0x4: {  	s28 =	simm.s32 $0x6;
	s30 =	simm.s32 $0xE380;
	s31 =	simm.s32 $0x0  }
0x5: {  	s3 =	sand.u32 $0x1, s3;
	s4 =	sshll.u32 s4, $0x1;
	[smem:$0x7FF] =	sst s2  }
0x6: {  	s16 =	sadd.s32 $0xA00, s0;
	s4 =	sor.u32 s3, s4;
	s5 =	ssub.s32 $0x2, s3  }
0x7: {  	_ =	strace $0x80000047;
	s14 =	smul.u32 $0x3400, s4;
	s21 =	sshrl.u32 s5, $0x1  }
0x8: {  	s3 =	sadd.s32 $0x27ACE00, s0;
	s7 =	smul.u32 $0xD000, s4;
	s0 =	ssub.s32 s5, s21  }
0x9: {  	s21 =	simm.s32 $0x1;
	s22 =	sshrl.u32 s14, $0x3;
	s8 =	sadd.s32 $0x680, s14  }
0xa: {  	s11 =	sadd.s32 $0xD00, s14;
	s7 =	sadd.s32 s1, s7;
	s12 =	sadd.s32 $0x1380, s14  }
0xb: {  	s15 =	sadd.s32 $0x1A00, s14;
	s17 =	sadd.s32 $0x2080, s14;
	s25 =	sadd.s32 $0x2700, s14  }
0xc: {  	s20 =	sadd.s32 $0x2D80, s14;
	s6 =	sshrl.u32 s8, $0x3;
	s4 =	sadd.s32 s16, s22  }
0xd: {  	s23 =	sshrl.u32 s11, $0x3;
	s9 =	sshrl.u32 s12, $0x3;
	s10 =	sshll.u32 s8, $0x2  }
0xe: {  	s24 =	sshrl.u32 s15, $0x3;
	s11 =	sshll.u32 s11, $0x2;
	s13 =	sshrl.u32 s17, $0x3  }
0xf: {  	s18 =	sshll.u32 s12, $0x2;
	s19 =	sshrl.u32 s25, $0x3;
	s15 =	sshll.u32 s15, $0x2  }
0x10: {  	s26 =	sshrl.u32 s20, $0x3;
	s17 =	sshll.u32 s17, $0x2;
	s29 =	sshll.u32 s20, $0x2  }
0x11: {  	s20 =	smax.u32 s0, $0x1;
	s22 =	simm.s32 $0x680;
	s5 =	sadd.s32 s16, s6  }
0x12: {  	s6 =	sadd.s32 s16, s23;
	s8 =	sadd.s32 s16, s9;
	s9 =	sadd.s32 s1, s10  }
0x13: {  	s10 =	sadd.s32 s16, s24;
	s11 =	sadd.s32 s1, s11;
	s12 =	sadd.s32 s16, s13  }
0x14: {  	s13 =	sadd.s32 s1, s18;
	s14 =	sadd.s32 s16, s19;
	s15 =	sadd.s32 s1, s15  }
0x15: {  	s16 =	sadd.s32 s16, s26;
	s18 =	sshll.u32 s25, $0x2;
	s17 =	sadd.s32 s1, s17  }
0x16: {  	s19 =	sadd.s32 s1, s29;
	s23 =	simm.s32 $0x2;
	s24 =	simm.s32 $0x3  }
0x17: {  	v0 =	vlaneseq.u32;
	vm0 =	vmmov $0xffff;
	s25 =	simm.s32 $0x5;
	s26 =	simm.s32 $0x4;
	s18 =	sadd.s32 s1, s18  }
.LBB2_1:
0x18: {  	v2 =	vor.u32 s2, v0  }
0x19: {  	v1 =	vmulhi.u32 $0x4EC4EC4F, v2;
	_ =	sdelay $0x1  }
0x1a: {  	v1 =	vshrl.u32 v1, $0x3  }
0x1b: {  	s0 =	simm.s32 $0x10;
	v3 =	vmul.u32 $0x1A, v1  }
0x1c: {  	v1 =	vor.u32 s0, v0  }
0x1d: {  	v2 =	vsub.s32 v2, v3;
	v3 =	vmulhi.u32 $0x4EC4EC4F, v1  }
0x1e: {  	v2 =	vmul.u32 $0x186A0, v2  }
0x1f: {  	s0 =	simm.s32 $0xD00;
	v3 =	vshrl.u32 v3, $0x3  }
0x20: {  	s1 =	simm.s32 $0x20;
	[tilespmem:s0+$0x0] =	vst v2;
	v2 =	vmul.u32 $0x1A, v3  }
.LBB2_2:
0x21: {  	p0 =	sne.s32 s1, $0x670  }
.Ltmp0:
0x22: {  	v2 =	vsub.s32 v1, v2;
	v1 =	vor.u32 s1, v0;
	s1 =	sadd.s32 $0x10, s1;
	(pc) =	sbr.rel @p0 .LBB2_2-.Ltmp0, $4  }
0x23: {  	v3 =	vmulhi.u32 $0x4EC4EC4F, v1;
	v2 =	vmul.u32 $0x186A0, v2  }
0x24: {  	s0 =	sadd.s32 $0x10, s0  }
0x25: {  	v3 =	vshrl.u32 v3, $0x3;
	[tilespmem:s0+$0x0] =	vst v2  }
0x26: {  	v2 =	vmul.u32 $0x1A, v3  }
0x27: {  	_ = 	snop  }
0x28: {  	v1 =	vsub.s32 v1, v2  }
0x29: {  	v1 =	vmul.u32 $0x186A0, v1  }
0x2a: {  	s0 =	sadd.s32 $0x10, s0  }
0x2b: {  	s1 =	simm.s32 $0x0;
	[tilespmem:s0+$0x0] =	vst v1  }
0x2c: {  	[tilespmem:s1], [sflag:$0x1] =	stream.linear.gather [hbm4b:s4+s1], $0x680, $0x38;
	[tilespmem:$0x1B380] =	vst v63  }
0x2d: {  	_ =	swait.ge [sflag:s21], $0x680  }
0x2e: {  	[sflag:s21] =	ssyncset.done $0x0  }
0x2f: {  	[sflag:s21] =	ssyncadd.s32 $0xFFFFF980  }
0x30: {  	[tilespmem:s22], [sflag:$0x2] =	stream.linear.gather [hbm4b:s5+s1], $0x680, $0x38;
	[tilespmem:$0x1B380] =	vst v63  }
0x31: {  	s1 =	simm.s32 $0x0  }
0x32: {  	v1 =	vld [tilespmem:s1+$0xD00]  }
0x33: {  	v2 =	vld [tilespmem:s1+$0x0];
	_ =	sdelay $0x4  }
0x34: {  	v1 =	vadd.s32 v2, v1;
	_ =	sdelay $0x3  }
0x35: {  	s29 =	simm.s32 $0x10;
	s0 =	simm.s32 $0x1380  }
0x36: {  	[tilespmem:s0], [sflag:$0x3] =	stream.indirect_vreg.gather [hbm4b:s3+s2], $0x20, v1, vm0, $0xb8;
	[tilespmem:$0x1B380] =	vst v63  }
0x37: {  	s1 =	simm.s32 $0x80;
	v1 =	vld [tilespmem:s29+$0xD00]  }
.LBB2_4:
0x38: {  	p0 =	sne.s32 s1, $0x19C0;
	v2 =	vld [tilespmem:s29+$0x0];
	_ =	sdelay $0x4  }
0x39: {  	v1 =	vadd.s32 v2, v1;
	_ =	sdelay $0x1  }
.Ltmp1:
0x3a: {  	(pc) =	sbr.rel @p0 .LBB2_4-.Ltmp1, $4  }
0x3b: {  	_ = 	snop  }
0x3c: {  	s29 =	sshra.s32 s1, $0x2;
	s0 =	sadd.s32 $0x200, s0  }
0x3d: {  	[tilespmem:s0], [sflag:$0x3] =	stream.indirect_vreg.gather [hbm4b:s3+s2], $0x20, v1, vm0, $0xb8;
	[tilespmem:$0x1B380] =	vst v63  }
0x3e: {  	s1 =	sadd.s32 $0x40, s1;
	v1 =	vld [tilespmem:s29+$0xD00]  }
0x3f: {  	v2 =	vld [tilespmem:s29+$0x0];
	_ =	sdelay $0x4  }
0x40: {  	v1 =	vadd.s32 v2, v1;
	_ =	sdelay $0x3  }
0x41: {  	s0 =	sadd.s32 $0x200, s0  }
0x42: {  	[tilespmem:s0], [sflag:$0x3] =	stream.indirect_vreg.gather [hbm4b:s3+s2], $0x20, v1, vm0, $0xb8;
	[tilespmem:$0x1B380] =	vst v63  }
0x43: {  	_ =	swait.ge [sflag:s23], $0x680  }
0x44: {  	[sflag:s23] =	ssyncset.done $0x0  }
0x45: {  	s1 =	simm.s32 $0x0;
	[sflag:s23] =	ssyncadd.s32 $0xFFFFF980  }
0x46: {  	[tilespmem:s1], [sflag:$0x1] =	stream.linear.gather [hbm4b:s6+s1], $0x680, $0x38;
	[tilespmem:$0x1B380] =	vst v63  }
0x47: {  	s1 =	simm.s32 $0x0  }
0x48: {  	v1 =	vld [tilespmem:s1+$0xD00]  }
0x49: {  	v2 =	vld [tilespmem:s1+$0x680];
	_ =	sdelay $0x4  }
0x4a: {  	v1 =	vadd.s32 v2, v1;
	_ =	sdelay $0x3  }
0x4b: {  	s29 =	simm.s32 $0x10;
	s0 =	simm.s32 $0xE380  }
0x4c: {  	[tilespmem:s0], [sflag:$0x4] =	stream.indirect_vreg.gather [hbm4b:s3+s2], $0x20, v1, vm0, $0xb8;
	[tilespmem:$0x1B380] =	vst v63  }
0x4d: {  	s1 =	simm.s32 $0x80;
	v1 =	vld [tilespmem:s29+$0xD00]  }
.LBB2_6:
0x4e: {  	p0 =	sne.s32 s1, $0x19C0;
	v2 =	vld [tilespmem:s29+$0x680];
	_ =	sdelay $0x4  }
0x4f: {  	v1 =	vadd.s32 v2, v1;
	_ =	sdelay $0x1  }
.Ltmp2:
0x50: {  	(pc) =	sbr.rel @p0 .LBB2_6-.Ltmp2, $4  }
0x51: {  	_ = 	snop  }
0x52: {  	s29 =	sshra.s32 s1, $0x2;
	s0 =	sadd.s32 $0x200, s0  }
0x53: {  	[tilespmem:s0], [sflag:$0x4] =	stream.indirect_vreg.gather [hbm4b:s3+s2], $0x20, v1, vm0, $0xb8;
	[tilespmem:$0x1B380] =	vst v63  }
0x54: {  	s1 =	sadd.s32 $0x40, s1;
	v1 =	vld [tilespmem:s29+$0xD00]  }
0x55: {  	v2 =	vld [tilespmem:s29+$0x680];
	_ =	sdelay $0x4  }
0x56: {  	v1 =	vadd.s32 v2, v1;
	_ =	sdelay $0x3  }
0x57: {  	s0 =	sadd.s32 $0x200, s0  }
0x58: {  	[tilespmem:s0], [sflag:$0x4] =	stream.indirect_vreg.gather [hbm4b:s3+s2], $0x20, v1, vm0, $0xb8;
	[tilespmem:$0x1B380] =	vst v63  }
0x59: {  	_ =	swait.ge [sflag:s24], $0xD000  }
0x5a: {  	[sflag:s24] =	ssyncset.done $0x0  }
0x5b: {  	s1 =	simm.s32 $0x0;
	s0 =	simm.s32 $0x1380;
	[sflag:s24] =	ssyncadd.s32 $0xFFFF3000  }
0x5c: {  	[hbm4b:s7+s1] =	stream.linear.scatter [tilespmem:s0], [sflag:$0x5], $0xD000, $0x38;
	[tilespmem:$0x1B380] =	vst v63  }
0x5d: {  	_ =	swait.ge [sflag:s21], $0x680  }
0x5e: {  	[sflag:s21] =	ssyncset.done $0x0  }
0x5f: {  	[sflag:s21] =	ssyncadd.s32 $0xFFFFF980  }
0x60: {  	[tilespmem:s22], [sflag:$0x2] =	stream.linear.gather [hbm4b:s8+s1], $0x680, $0x38;
	[tilespmem:$0x1B380] =	vst v63  }
0x61: {  	_ =	swait.ge [sflag:s25], $0xD000  }
0x62: {  	[sflag:s25] =	ssyncset.done $0x0  }
0x63: {  	s1 =	simm.s32 $0x0;
	[sflag:s25] =	ssyncadd.s32 $0xFFFF3000  }
0x64: {  	v1 =	vld [tilespmem:s1+$0xD00]  }
0x65: {  	v2 =	vld [tilespmem:s1+$0x0];
	_ =	sdelay $0x4  }
0x66: {  	v1 =	vadd.s32 v2, v1;
	_ =	sdelay $0x3  }
0x67: {  	s29 =	simm.s32 $0x10  }
0x68: {  	[tilespmem:s0], [sflag:$0x3] =	stream.indirect_vreg.gather [hbm4b:s3+s2], $0x20, v1, vm0, $0xb8;
	[tilespmem:$0x1B380] =	vst v63  }
0x69: {  	s1 =	simm.s32 $0x80;
	v1 =	vld [tilespmem:s29+$0xD00]  }
.LBB2_8:
0x6a: {  	p0 =	sne.s32 s1, $0x19C0;
	v2 =	vld [tilespmem:s29+$0x0];
	_ =	sdelay $0x4  }
0x6b: {  	v1 =	vadd.s32 v2, v1;
	_ =	sdelay $0x1  }
.Ltmp3:
0x6c: {  	(pc) =	sbr.rel @p0 .LBB2_8-.Ltmp3, $4  }
0x6d: {  	_ = 	snop  }
0x6e: {  	s29 =	sshra.s32 s1, $0x2;
	s0 =	sadd.s32 $0x200, s0  }
0x6f: {  	[tilespmem:s0], [sflag:$0x3] =	stream.indirect_vreg.gather [hbm4b:s3+s2], $0x20, v1, vm0, $0xb8;
	[tilespmem:$0x1B380] =	vst v63  }
0x70: {  	s1 =	sadd.s32 $0x40, s1;
	v1 =	vld [tilespmem:s29+$0xD00]  }
0x71: {  	v2 =	vld [tilespmem:s29+$0x0];
	_ =	sdelay $0x4  }
0x72: {  	v1 =	vadd.s32 v2, v1;
	_ =	sdelay $0x3  }
0x73: {  	s0 =	sadd.s32 $0x200, s0  }
0x74: {  	[tilespmem:s0], [sflag:$0x3] =	stream.indirect_vreg.gather [hbm4b:s3+s2], $0x20, v1, vm0, $0xb8;
	[tilespmem:$0x1B380] =	vst v63  }
0x75: {  	_ =	swait.ge [sflag:s26], $0xD000  }
0x76: {  	[sflag:s26] =	ssyncset.done $0x0  }
0x77: {  	s1 =	simm.s32 $0x0;
	s0 =	simm.s32 $0xE380;
	[sflag:s26] =	ssyncadd.s32 $0xFFFF3000  }
0x78: {  	[hbm4b:s9+s1] =	stream.linear.scatter [tilespmem:s0], [sflag:$0x6], $0xD000, $0x38;
	[tilespmem:$0x1B380] =	vst v63  }
0x79: {  	_ =	swait.ge [sflag:s23], $0x680  }
0x7a: {  	[sflag:s23] =	ssyncset.done $0x0  }
0x7b: {  	[sflag:s23] =	ssyncadd.s32 $0xFFFFF980  }
0x7c: {  	[tilespmem:s1], [sflag:$0x1] =	stream.linear.gather [hbm4b:s10+s1], $0x680, $0x38;
	[tilespmem:$0x1B380] =	vst v63  }
0x7d: {  	_ =	swait.ge [sflag:s28], $0xD000  }
0x7e: {  	[sflag:s28] =	ssyncset.done $0x0  }
0x7f: {  	s1 =	simm.s32 $0x0;
	[sflag:s28] =	ssyncadd.s32 $0xFFFF3000  }
0x80: {  	v1 =	vld [tilespmem:s1+$0xD00]  }
0x81: {  	v2 =	vld [tilespmem:s1+$0x680];
	_ =	sdelay $0x4  }
0x82: {  	v1 =	vadd.s32 v2, v1;
	_ =	sdelay $0x3  }
0x83: {  	s29 =	simm.s32 $0x10  }
0x84: {  	[tilespmem:s0], [sflag:$0x4] =	stream.indirect_vreg.gather [hbm4b:s3+s2], $0x20, v1, vm0, $0xb8;
	[tilespmem:$0x1B380] =	vst v63  }
0x85: {  	s1 =	simm.s32 $0x80;
	v1 =	vld [tilespmem:s29+$0xD00]  }
.LBB2_10:
0x86: {  	p0 =	sne.s32 s1, $0x19C0;
	v2 =	vld [tilespmem:s29+$0x680];
	_ =	sdelay $0x4  }
0x87: {  	v1 =	vadd.s32 v2, v1;
	_ =	sdelay $0x1  }
.Ltmp4:
0x88: {  	(pc) =	sbr.rel @p0 .LBB2_10-.Ltmp4, $4  }
0x89: {  	_ = 	snop  }
0x8a: {  	s29 =	sshra.s32 s1, $0x2;
	s0 =	sadd.s32 $0x200, s0  }
0x8b: {  	[tilespmem:s0], [sflag:$0x4] =	stream.indirect_vreg.gather [hbm4b:s3+s2], $0x20, v1, vm0, $0xb8;
	[tilespmem:$0x1B380] =	vst v63  }
0x8c: {  	s1 =	sadd.s32 $0x40, s1;
	v1 =	vld [tilespmem:s29+$0xD00]  }
0x8d: {  	v2 =	vld [tilespmem:s29+$0x680];
	_ =	sdelay $0x4  }
0x8e: {  	v1 =	vadd.s32 v2, v1;
	_ =	sdelay $0x3  }
0x8f: {  	s0 =	sadd.s32 $0x200, s0  }
0x90: {  	[tilespmem:s0], [sflag:$0x4] =	stream.indirect_vreg.gather [hbm4b:s3+s2], $0x20, v1, vm0, $0xb8;
	[tilespmem:$0x1B380] =	vst v63  }
0x91: {  	_ =	swait.ge [sflag:s24], $0xD000  }
0x92: {  	[sflag:s24] =	ssyncset.done $0x0  }
0x93: {  	s1 =	simm.s32 $0x0;
	s0 =	simm.s32 $0x1380;
	[sflag:s24] =	ssyncadd.s32 $0xFFFF3000  }
0x94: {  	[hbm4b:s11+s1] =	stream.linear.scatter [tilespmem:s0], [sflag:$0x5], $0xD000, $0x38;
	[tilespmem:$0x1B380] =	vst v63  }
0x95: {  	_ =	swait.ge [sflag:s21], $0x680  }
0x96: {  	[sflag:s21] =	ssyncset.done $0x0  }
0x97: {  	[sflag:s21] =	ssyncadd.s32 $0xFFFFF980  }
0x98: {  	[tilespmem:s22], [sflag:$0x2] =	stream.linear.gather [hbm4b:s12+s1], $0x680, $0x38;
	[tilespmem:$0x1B380] =	vst v63  }
0x99: {  	_ =	swait.ge [sflag:s25], $0xD000  }
0x9a: {  	[sflag:s25] =	ssyncset.done $0x0  }
0x9b: {  	s1 =	simm.s32 $0x0;
	[sflag:s25] =	ssyncadd.s32 $0xFFFF3000  }
0x9c: {  	v1 =	vld [tilespmem:s1+$0xD00]  }
0x9d: {  	v2 =	vld [tilespmem:s1+$0x0];
	_ =	sdelay $0x4  }
0x9e: {  	v1 =	vadd.s32 v2, v1;
	_ =	sdelay $0x3  }
0x9f: {  	s29 =	simm.s32 $0x10  }
0xa0: {  	[tilespmem:s0], [sflag:$0x3] =	stream.indirect_vreg.gather [hbm4b:s3+s2], $0x20, v1, vm0, $0xb8;
	[tilespmem:$0x1B380] =	vst v63  }
0xa1: {  	s1 =	simm.s32 $0x80;
	v1 =	vld [tilespmem:s29+$0xD00]  }
.LBB2_12:
0xa2: {  	p0 =	sne.s32 s1, $0x19C0;
	v2 =	vld [tilespmem:s29+$0x0];
	_ =	sdelay $0x4  }
0xa3: {  	v1 =	vadd.s32 v2, v1;
	_ =	sdelay $0x1  }
.Ltmp5:
0xa4: {  	(pc) =	sbr.rel @p0 .LBB2_12-.Ltmp5, $4  }
0xa5: {  	_ = 	snop  }
0xa6: {  	s29 =	sshra.s32 s1, $0x2;
	s0 =	sadd.s32 $0x200, s0  }
0xa7: {  	[tilespmem:s0], [sflag:$0x3] =	stream.indirect_vreg.gather [hbm4b:s3+s2], $0x20, v1, vm0, $0xb8;
	[tilespmem:$0x1B380] =	vst v63  }
0xa8: {  	s1 =	sadd.s32 $0x40, s1;
	v1 =	vld [tilespmem:s29+$0xD00]  }
0xa9: {  	v2 =	vld [tilespmem:s29+$0x0];
	_ =	sdelay $0x4  }
0xaa: {  	v1 =	vadd.s32 v2, v1;
	_ =	sdelay $0x3  }
0xab: {  	s0 =	sadd.s32 $0x200, s0  }
0xac: {  	[tilespmem:s0], [sflag:$0x3] =	stream.indirect_vreg.gather [hbm4b:s3+s2], $0x20, v1, vm0, $0xb8;
	[tilespmem:$0x1B380] =	vst v63  }
0xad: {  	_ =	swait.ge [sflag:s26], $0xD000  }
0xae: {  	[sflag:s26] =	ssyncset.done $0x0  }
0xaf: {  	s1 =	simm.s32 $0x0;
	s0 =	simm.s32 $0xE380;
	[sflag:s26] =	ssyncadd.s32 $0xFFFF3000  }
0xb0: {  	[hbm4b:s13+s1] =	stream.linear.scatter [tilespmem:s0], [sflag:$0x6], $0xD000, $0x38;
	[tilespmem:$0x1B380] =	vst v63  }
0xb1: {  	_ =	swait.ge [sflag:s23], $0x680  }
0xb2: {  	[sflag:s23] =	ssyncset.done $0x0  }
0xb3: {  	[sflag:s23] =	ssyncadd.s32 $0xFFFFF980  }
0xb4: {  	[tilespmem:s1], [sflag:$0x1] =	stream.linear.gather [hbm4b:s14+s1], $0x680, $0x38;
	[tilespmem:$0x1B380] =	vst v63  }
0xb5: {  	_ =	swait.ge [sflag:s28], $0xD000  }
0xb6: {  	[sflag:s28] =	ssyncset.done $0x0  }
0xb7: {  	s1 =	simm.s32 $0x0;
	[sflag:s28] =	ssyncadd.s32 $0xFFFF3000  }
0xb8: {  	v1 =	vld [tilespmem:s1+$0xD00]  }
0xb9: {  	v2 =	vld [tilespmem:s1+$0x680];
	_ =	sdelay $0x4  }
0xba: {  	v1 =	vadd.s32 v2, v1;
	_ =	sdelay $0x3  }
0xbb: {  	s29 =	simm.s32 $0x10  }
0xbc: {  	[tilespmem:s0], [sflag:$0x4] =	stream.indirect_vreg.gather [hbm4b:s3+s2], $0x20, v1, vm0, $0xb8;
	[tilespmem:$0x1B380] =	vst v63  }
0xbd: {  	s1 =	simm.s32 $0x80;
	v1 =	vld [tilespmem:s29+$0xD00]  }
.LBB2_14:
0xbe: {  	p0 =	sne.s32 s1, $0x19C0;
	v2 =	vld [tilespmem:s29+$0x680];
	_ =	sdelay $0x4  }
0xbf: {  	v1 =	vadd.s32 v2, v1;
	_ =	sdelay $0x1  }
.Ltmp6:
0xc0: {  	(pc) =	sbr.rel @p0 .LBB2_14-.Ltmp6, $4  }
0xc1: {  	_ = 	snop  }
0xc2: {  	s29 =	sshra.s32 s1, $0x2;
	s0 =	sadd.s32 $0x200, s0  }
0xc3: {  	[tilespmem:s0], [sflag:$0x4] =	stream.indirect_vreg.gather [hbm4b:s3+s2], $0x20, v1, vm0, $0xb8;
	[tilespmem:$0x1B380] =	vst v63  }
0xc4: {  	s1 =	sadd.s32 $0x40, s1;
	v1 =	vld [tilespmem:s29+$0xD00]  }
0xc5: {  	v2 =	vld [tilespmem:s29+$0x680];
	_ =	sdelay $0x4  }
0xc6: {  	v1 =	vadd.s32 v2, v1;
	_ =	sdelay $0x3  }
0xc7: {  	s0 =	sadd.s32 $0x200, s0  }
0xc8: {  	[tilespmem:s0], [sflag:$0x4] =	stream.indirect_vreg.gather [hbm4b:s3+s2], $0x20, v1, vm0, $0xb8;
	[tilespmem:$0x1B380] =	vst v63  }
0xc9: {  	_ =	swait.ge [sflag:s24], $0xD000  }
0xca: {  	[sflag:s24] =	ssyncset.done $0x0  }
0xcb: {  	s1 =	simm.s32 $0x0;
	s0 =	simm.s32 $0x1380;
	[sflag:s24] =	ssyncadd.s32 $0xFFFF3000  }
0xcc: {  	[hbm4b:s15+s1] =	stream.linear.scatter [tilespmem:s0], [sflag:$0x5], $0xD000, $0x38;
	[tilespmem:$0x1B380] =	vst v63  }
0xcd: {  	_ =	swait.ge [sflag:s21], $0x680  }
0xce: {  	[sflag:s21] =	ssyncset.done $0x0  }
0xcf: {  	[sflag:s21] =	ssyncadd.s32 $0xFFFFF980  }
0xd0: {  	[tilespmem:s22], [sflag:$0x2] =	stream.linear.gather [hbm4b:s16+s1], $0x680, $0x38;
	[tilespmem:$0x1B380] =	vst v63  }
0xd1: {  	_ =	swait.ge [sflag:s25], $0xD000  }
0xd2: {  	[sflag:s25] =	ssyncset.done $0x0  }
0xd3: {  	s1 =	simm.s32 $0x0;
	[sflag:s25] =	ssyncadd.s32 $0xFFFF3000  }
0xd4: {  	v1 =	vld [tilespmem:s1+$0xD00]  }
0xd5: {  	v2 =	vld [tilespmem:s1+$0x0];
	_ =	sdelay $0x4  }
0xd6: {  	v1 =	vadd.s32 v2, v1;
	_ =	sdelay $0x3  }
0xd7: {  	s29 =	simm.s32 $0x10  }
0xd8: {  	[tilespmem:s0], [sflag:$0x3] =	stream.indirect_vreg.gather [hbm4b:s3+s2], $0x20, v1, vm0, $0xb8;
	[tilespmem:$0x1B380] =	vst v63  }
0xd9: {  	s1 =	simm.s32 $0x80;
	v1 =	vld [tilespmem:s29+$0xD00]  }
.LBB2_16:
0xda: {  	p0 =	sne.s32 s1, $0x19C0;
	v2 =	vld [tilespmem:s29+$0x0];
	_ =	sdelay $0x4  }
0xdb: {  	v1 =	vadd.s32 v2, v1;
	_ =	sdelay $0x1  }
.Ltmp7:
0xdc: {  	(pc) =	sbr.rel @p0 .LBB2_16-.Ltmp7, $4  }
0xdd: {  	_ = 	snop  }
0xde: {  	s29 =	sshra.s32 s1, $0x2;
	s0 =	sadd.s32 $0x200, s0  }
0xdf: {  	[tilespmem:s0], [sflag:$0x3] =	stream.indirect_vreg.gather [hbm4b:s3+s2], $0x20, v1, vm0, $0xb8;
	[tilespmem:$0x1B380] =	vst v63  }
0xe0: {  	s1 =	sadd.s32 $0x40, s1;
	v1 =	vld [tilespmem:s29+$0xD00]  }
0xe1: {  	v2 =	vld [tilespmem:s29+$0x0];
	_ =	sdelay $0x4  }
0xe2: {  	v1 =	vadd.s32 v2, v1;
	_ =	sdelay $0x3  }
0xe3: {  	s0 =	sadd.s32 $0x200, s0  }
0xe4: {  	[tilespmem:s0], [sflag:$0x3] =	stream.indirect_vreg.gather [hbm4b:s3+s2], $0x20, v1, vm0, $0xb8;
	[tilespmem:$0x1B380] =	vst v63  }
0xe5: {  	_ =	swait.ge [sflag:s26], $0xD000  }
0xe6: {  	[sflag:s26] =	ssyncset.done $0x0  }
0xe7: {  	s1 =	simm.s32 $0x0;
	s0 =	simm.s32 $0xE380;
	[sflag:s26] =	ssyncadd.s32 $0xFFFF3000  }
0xe8: {  	[hbm4b:s17+s1] =	stream.linear.scatter [tilespmem:s0], [sflag:$0x6], $0xD000, $0x38;
	[tilespmem:$0x1B380] =	vst v63  }
0xe9: {  	_ =	swait.ge [sflag:s23], $0x680  }
0xea: {  	[sflag:s23] =	ssyncset.done $0x0  }
0xeb: {  	[sflag:s23] =	ssyncadd.s32 $0xFFFFF980  }
0xec: {  	_ =	swait.ge [sflag:s28], $0xD000  }
0xed: {  	[sflag:s28] =	ssyncset.done $0x0  }
0xee: {  	s1 =	simm.s32 $0x0;
	[sflag:s28] =	ssyncadd.s32 $0xFFFF3000  }
0xef: {  	v1 =	vld [tilespmem:s1+$0xD00]  }
0xf0: {  	v2 =	vld [tilespmem:s1+$0x680];
	_ =	sdelay $0x4  }
0xf1: {  	v1 =	vadd.s32 v2, v1;
	_ =	sdelay $0x3  }
0xf2: {  	s29 =	simm.s32 $0x10  }
0xf3: {  	[tilespmem:s0], [sflag:$0x4] =	stream.indirect_vreg.gather [hbm4b:s3+s2], $0x20, v1, vm0, $0xb8;
	[tilespmem:$0x1B380] =	vst v63  }
0xf4: {  	s1 =	simm.s32 $0x80;
	v1 =	vld [tilespmem:s29+$0xD00]  }
.LBB2_18:
0xf5: {  	p0 =	sne.s32 s1, $0x19C0;
	v2 =	vld [tilespmem:s29+$0x680];
	_ =	sdelay $0x4  }
0xf6: {  	v1 =	vadd.s32 v2, v1;
	_ =	sdelay $0x1  }
.Ltmp8:
0xf7: {  	(pc) =	sbr.rel @p0 .LBB2_18-.Ltmp8, $4  }
0xf8: {  	_ = 	snop  }
0xf9: {  	s29 =	sshra.s32 s1, $0x2;
	s0 =	sadd.s32 $0x200, s0  }
0xfa: {  	[tilespmem:s0], [sflag:$0x4] =	stream.indirect_vreg.gather [hbm4b:s3+s2], $0x20, v1, vm0, $0xb8;
	[tilespmem:$0x1B380] =	vst v63  }
0xfb: {  	s1 =	sadd.s32 $0x40, s1;
	v1 =	vld [tilespmem:s29+$0xD00]  }
0xfc: {  	v2 =	vld [tilespmem:s29+$0x680];
	_ =	sdelay $0x4  }
0xfd: {  	v1 =	vadd.s32 v2, v1;
	_ =	sdelay $0x3  }
0xfe: {  	s0 =	sadd.s32 $0x200, s0  }
0xff: {  	[tilespmem:s0], [sflag:$0x4] =	stream.indirect_vreg.gather [hbm4b:s3+s2], $0x20, v1, vm0, $0xb8;
	[tilespmem:$0x1B380] =	vst v63  }
0x100: {  	_ =	swait.ge [sflag:s24], $0xD000  }
0x101: {  	[sflag:s24] =	ssyncset.done $0x0  }
0x102: {  	s29 =	simm.s32 $0x1380;
	[sflag:s24] =	ssyncadd.s32 $0xFFFF3000  }
0x103: {  	[hbm4b:s18+s2] =	stream.linear.scatter [tilespmem:s29], [sflag:$0x5], $0xD000, $0x38;
	[tilespmem:$0x1B380] =	vst v63  }
0x104: {  	_ =	swait.ge [sflag:s26], $0xD000  }
0x105: {  	[sflag:s26] =	ssyncset.done $0x0  }
0x106: {  	s31 =	sadd.s32 $0x1, s31;
	[sflag:s26] =	ssyncadd.s32 $0xFFFF3000  }
0x107: {  	[hbm4b:s19+s2] =	stream.linear.scatter [tilespmem:s30], [sflag:$0x6], $0xD000, $0x38;
	[tilespmem:$0x1B380] =	vst v63  }
0x108: {  	p0 =	sne.s32 s31, s20;
	_ =	swait.ge [sflag:s25], $0xD000  }
.Ltmp9:
0x109: {  	[sflag:s25] =	ssyncset.done $0x0;
	(pc) =	sbr.rel @p0 .LBB2_1-.Ltmp9, $4  }
0x10a: {  	[sflag:s25] =	ssyncadd.s32 $0xFFFF3000  }
0x10b: {  	_ =	swait.ge [sflag:s28], $0xD000  }
0x10c: {  	[sflag:s28] =	ssyncset.done $0x0  }
0x10d: {  	[sflag:s28] =	ssyncadd.s32 $0xFFFF3000  }
0x10e: {  	_ =	sfence.sel $0x180000  }
0x10f: {  	[bflag:$0x0] =	sbarrier.arrive $0xFFFF  }
0x110: {  	_ =	strace $0x90000047  }
0x111: {  	s0 =	stileid.u32;
	[bflag:$0x2] =	sbarrier.arrive $0xFFFF  }
0x112: {  	p0 =	sne.s32 s0, $0x0;
	s0 =	rddreg [dreg:$0x2]  }
0x113: {  	s0 =	sadd.s32 @!p0 $0x100000, s0  }
0x114: {  	[sflag:s0] =	ssyncadd.tile.s32 @!p0 $0x1;
	_ =	shalt  }
.Lfunc_end2:
_tile_overlayer_lowered:
.L_overlay_start_2:
0x115: {  	(tag) =	ssettag $0x2  }
0x116: {  	s0 =	rddreg [dreg:$0x0];
	s2 =	stileid.u32  }
0x117: {  	s1 =	rddreg [dreg:$0x1];
	p0 =	sne.s32 s2, $0x0  }
0x118: {  	s3 =	rddreg [dreg:$0x2];
	[bflag:$0x3] =	sbarrier.arrive $0xFFFF;
	s2 =	simm.s32 @!p0 $0x1C07  }
0x119: {  	[timem:s3], [sflag:s2] =	dma.local @!p0 [hbm:s0], s1  }
0x11a: {  	s0 =	simm.s32 @!p0 $0x7  }
0x11b: {  	_ =	swait.ge @!p0 [sflag:s0], s1  }
0x11c: {  	s1 =	ssub.s32 @!p0 $0x0, s1;
	[sflag:s0] =	ssyncset.done @!p0 $0x0  }
0x11d: {  	[sflag:s0] =	ssyncadd.s32 @!p0 s1  }
0x11e: {  	[bflag:$0x3] =	sbarrier.arrive $0xFFFF  }
0x11f: {  	_ =	shalt  }

// kernel: sparse-core-data-format-call.cloned.1.call-start
scs
called_computation_lowered:
.L_overlay_start_0:
0x0: {  	s2 =	sld [smem:$0x3FD9]  }
0x1: {  	s3 =	sld [smem:$0x3FFE];
	_ =	sdelay $0x1  }
0x2: {  	s1 =	srdreg.scid  }
0x3: {  	s0 =	sand.u32 $0x1, s1  }
0x4: {  	s18 =	sshll.u32 s0, $0xA;
	s2 =	sadd.s32 s3, s2  }
0x5: {  	s2 =	sadd.s32 s2, s18  }
0x6: {  	[smem:$0x3FC6] =	sst s2  }
0x7: {  	_ = 	snop  }
0x8: {  	s2 =	sld [smem:$0x3FD0];
	(tm) =	ssettm $0x1  }
0x9: {  	s19 =	sld [smem:$0x3FFB];
	_ =	sdelay $0x3  }
0xa: {  	_ =	strace s19  }
0xb: {  	s3 =	sld [smem:$0x3FFC];
	_ =	sdelay $0x3  }
0xc: {  	_ =	strace s3  }
0xd: {  	s3 =	sld [smem:$0x3FFD];
	_ =	sdelay $0x3  }
0xe: {  	_ =	strace s3  }
0xf: {  	_ =	strace $0x8FFFFFFF  }
0x10: {  	s20 =	sld [smem:$0x3FDB];
	_ =	sdelay $0x1  }
0x11: {  	s4 =	simm.s32 $_scs_section_size  }
0x12: {  	s5 =	simm.s32 $_size__tile_overlayer_lowered;
	s6 =	simm.s32 $_tile_overlayer_lowered  }
0x13: {  	s23 =	simm.s32 $0x1BFF;
	s22 =	sshll.u32 s6, $0x1;
	s3 =	sadd.s32 s4, s20  }
0x14: {  	s7 =	simm.s32 $0x0;
	s21 =	sshll.u32 s5, $0x1;
	s5 =	sadd.s32 s22, s3  }
0x15: {  	[timem:s7], [sflag:s23] =	dma.local [hbm:s5], s21  }
0x16: {  	_ =	swait.ge [sflag:s23], s21  }
0x17: {  	s4 =	ssub.s32 $0x0, s21;
	[sflag:s23] =	ssyncset.done $0x0  }
0x18: {  	[sflag:s23] =	ssyncadd.s32 s4;
	_ =	sdelay $0x1  }
0x19: {  	s24 =	simm.s32 $0x1B8B  }
0x1a: {  	_ =	swait.ge [sflag:s24], $0x1  }
0x1b: {  	[sflag:s24] =	ssyncset.done $0x0  }
0x1c: {  	s26 =	simm.s32 $0x1B8E;
	s25 =	sld [smem:$0x3FFE];
	[sflag:s24] =	ssyncadd.s32 $0xFFFFFFFF  }
0x1d: {  	s27 =	simm.s32 $execute0_lowered;
	[smem:$0x3FD2] =	sst s26  }
0x1e: {  	s5 =	sshll.u32 s27, $0x1;
	_ =	strace $0x80000049;
	[dreg:$0x1] =	wrdreg $0xFFFFFFFF  }
0x1f: {  	s28 =	simm.s32 $_size_execute0_lowered;
	s3 =	sadd.s32 s3, s5;
	[dreg:$0x0] =	wrdreg $0x0  }
0x20: {  	s5 =	sshll.u32 s28, $0x1;
	[dreg:$0x2] =	wrdreg s3  }
0x21: {  	[dreg:$0x3] =	wrdreg s5  }
0x22: {  	[dreg:$0x4] =	wrdreg $0xC0  }
0x23: {  	_ =	task [dreg:s7], $0x5FFFF  }
0x24: {  	[dreg:$0x1] =	wrdreg $0xFFFFFFFF  }
0x25: {  	[dreg:$0x0] =	wrdreg $0x60  }
0x26: {  	[dreg:$0x2] =	wrdreg s25  }
0x27: {  	[dreg:$0x3] =	wrdreg s2  }
0x28: {  	[dreg:$0x4] =	wrdreg $0x9  }
0x29: {  	_ =	task.clear_ibuf [dreg:s7], $0x5FFFF;
	_ =	strace $0x90000049  }
0x2a: {  	s29 =	simm.s32 $0x9;
	_ =	strace $0x8000004B  }
0x2b: {  	_ =	swait.ge [sflag:s29], $0x1  }
0x2c: {  	[sflag:s29] =	ssyncadd.s32 $0xFFFFFFFF  }
0x2d: {  	_ =	strace $0x9000004B  }
0x2e: {  	_ =	sfence  }
0x2f: {  	s30 =	sld [smem:$0x0];
	_ =	sdelay $0x2  }
0x30: {  	s31 =	sshll.u32 s1, $0xD;
	s1 =	sshrl.u32 s1, $0x2  }
0x31: {  	s3 =	sand.u32 $0x4000, s31;
	s1 =	sadd.s32 s1, s30  }
0x32: {  	s0 =	sor.u32 s3, s0;
	s1 =	sshll.u32 s1, $0x11  }
0x33: {  	s0 =	sor.u32 s1, s0  }
0x34: {  	s0 =	sadd.s32 $0x8F2B, s0  }
0x35: {  	[sflag:s0] =	ssyncadd.remote.s32 $0x1  }
0x36: {  	_ =	sfence.sel $0xFFFF  }
0x37: {  	[dreg:$0x0] =	wrdreg $0xFFFFFFFF;
	(pc) =	sbr.abs _section_cstart, $3  }
0x38: {  	[dreg:$0x1] =	wrdreg $0xFFFFFFFF  }
0x39: {  	_ =	task.clear_ibuf [dreg:s7], $0x2FFFF;
	_ =	strace $0x9FFFFFFF  }
0x3a: {  	(tm) =	ssettm $0x7FFFFFFF  }
0x3b: {  	_ =	shalt  }
tec
execute0_lowered:
.L_overlay_start_1:
0x0: {  	(tag) =	ssettag $0x1  }
0x1: {  	s0 =	srdreg.scid  }
0x2: {  	s1 =	sshll.u32 s0, $0x4  }
0x3: {  	s0 =	stileid.u32;
	s1 =	sand.u32 $0x10, s1  }
0x4: {  	s1 =	sor.u32 s0, s1  }
0x5: {  	s6 =	rddreg [dreg:$0x0];
	s4 =	simm.s32 $0x1;
	s2 =	sshll.u32 s1, $0x7  }
0x6: {  	s7 =	simm.s32 $0x2;
	s12 =	simm.s32 $0x0;
	s1 =	ssub.s32 $0x4000, s2  }
0x7: {  	s8 =	simm.s32 $0x20000;
	s13 =	simm.s32 $0x0;
	s3 =	sand.u32 $0xF80, s1  }
0x8: {  	s9 =	simm.s32 $0x0;
	s5 =	sshrl.u32 s1, $0xC;
	p0 =	sne.s32 s3, $0x0  }
.Ltmp0:
0x9: {  	s1 =	rddreg [dreg:$0x2];
	s4 =	simm.s32 @!p0 $0x0;
	(pc) =	sbr.rel .LBB1_1-.Ltmp0, $4  }
0xa: {  	s11 =	simm.s32 $0x0;
	s3 =	rddreg [dreg:$0x1];
	s5 =	sadd.s32 s4, s5  }
0xb: {  	_ =	strace $0x8000004A;
	s4 =	simm.s32 $0x1;
	s5 =	smul.u32 $0x1A, s5  }
0xc: {  	s6 =	sadd.s32 $0xA00, s6;
	s10 =	smov.u32 s2;
	[sflag:s4] =	ssyncpa.u1 $0x0  }
0xd: {  	p0 =	por $0x0, $0x0;
	[sflag:s7] =	ssyncpa.u1 $0x0;
	s7 =	sor.u32 $0x1, s5  }
.LBB1_4:
0xe: {  	s16 =	sshll.u32 s13, $0x3;
	s17 =	sand.u32 $0x78, s13  }
0xf: {  	s30 =	sand.u32 $0xF800, s13;
	s12 =	sshll.u32 s12, $0x10;
	s16 =	sand.u32 $0x3C00, s16  }
0x10: {  	s31 =	sand.u32 $0x7, s13;
	s16 =	sor.u32 s17, s16;
	s17 =	sadd.s32 s3, s30  }
0x11: {  	s13 =	sshll.u32 s31, $0x12;
	s16 =	sshrl.u32 s16, $0x3;
	s12 =	sadd.s32 s12, s17  }
0x12: {  	[tilespmem:s15+$0x0 ss:$0x81] =	vst.msk $0xffff, v0;
	s13 =	sor.u32 $0x400, s13;
	s12 =	sadd.s32 s16, s12  }
0x13: {  	[hbm4b:s12+s13] =	stream.strided.scatter [tilespmem:s14], [sflag:$0x2], $0x1000, s8, s13, $0x20;
	[tilespmem:$0x4040] =	vst v63  }
.LBB1_5:
0x14: {  	s14 =	sadd.s32 $0x1, s9  }
0x15: {  	s12 =	sadd.s32 $0x1000, s10;
	s16 =	smov.u32 s10;
	p2 =	sgt.s32 s14, $0x19  }
0x16: {  	s16 =	smov.u32 @p2 s12  }
0x17: {  	s14 =	simm.s32 @p2 $0x0;
	p2 =	sgt.s32 s16, $0x3FFF  }
0x18: {  	s16 =	smov.u32 @p2 s2;
	p2 =	sne.s32 s11, s7  }
.Ltmp1:
0x19: {  	p1 =	slt.u32 s11, $0x2;
	(pc) =	sbr.rel @!p2 .LBB1_6-.Ltmp1, $4  }
0x1a: {  	s15 =	simm.s32 @!p1 $0x2  }
0x1b: {  	s13 =	smov.u32 s10;
	p0 =	por !p0, !p0;
	_ =	swait.ge @!p1 [sflag:s15], $0x1000  }
0x1c: {  	s12 =	smov.u32 s9;
	[sflag:s15] =	ssyncset.done @!p1 $0x0;
	s9 =	smov.u32 s14  }
0x1d: {  	s11 =	sadd.s32 $0x1, s11;
	[sflag:s15] =	ssyncadd.s32 @!p1 $0xFFFFF000;
	s10 =	smov.u32 s16  }
.LBB1_1:
0x1e: {  	p1 =	sge.u32 s11, s5  }
0x1f: {  	s31 =	sadd.s32 $0xFFFFFFFF, s11;
	s14 =	sxor.u32 @!p1 $0xFFFFFFFF, s11  }
0x20: {  	s15 =	sshll.u32 @!p1 s10, $0x9;
	s16 =	sshll.u32 @!p1 s9, $0x4;
	s17 =	simm.s32 @!p1 $0x1000  }
0x21: {  	s14 =	sshll.u32 @!p1 s14, $0xC;
	s16 =	sand.u32 @!p1 $0x1F0, s16;
	s15 =	sadd.s32 @!p1 s6, s15  }
0x22: {  	s14 =	sand.u32 @!p1 $0x1000, s14;
	s15 =	sadd.s32 @!p1 s16, s15;
	s16 =	simm.s32 @!p1 $0x20  }
0x23: {  	[tilespmem:s14], [sflag:$0x1] =	stream.strided.gather @!p1 [hbm4b:s15+s16], $0x1000, s17, s16, $0x38;
	[tilespmem:$0x4040] =	vst v63  }
0x24: {  	p1 =	sge.u32 s31, s5  }
.Ltmp2:
0x25: {  	_ = 	snop;
	(pc) =	sbr.rel @p1 .LBB1_5-.Ltmp2, $1  }
0x26: {  	_ =	sdelay $0x3  }
0x27: {  	s14 =	simm.s32 $0x1  }
0x28: {  	_ =	swait.ge [sflag:s4], $0x1000;
	s14 =	simm.s32 @!p0 $0x0  }
0x29: {  	[sflag:s4] =	ssyncset.done $0x0;
	s15 =	sshll.u32 s14, $0xC  }
0x2a: {  	[sflag:s4] =	ssyncadd.s32 $0xFFFFF000;
	s18 =	sor.u32 $0x10, s15  }
0x2b: {  	s14 =	smul.u32 $0x4080, s14;
	v1 =	vld [tilespmem:s18+$0x0]  }
0x2c: {  	s30 =	sand.u32 $0x1, s11;
	v0 =	vld [tilespmem:s18+$0xFFFFFFF0]  }
0x2d: {  	s15 =	smul.u32 $0x4080, s30;
	s14 =	sshrl.u32 s14, $0x2  }
0x2e: {  	s16 =	sor.u32 $0x2000, s14  }
0x2f: {  	s31 =	sshrl.u32 s15, $0x2;
	s15 =	sadd.s32 $0x0, s16  }
0x30: {  	s17 =	simm.s32 $0x4;
	s18 =	sadd.s32 $0x20, s18;
	s14 =	sor.u32 $0x2000, s31;
	[tilespmem:s15+$0x810 ss:$0x81] =	vst.msk $0xffff, v1  }
.LBB1_3:
0x31: {  	v1 =	vld [tilespmem:s18+$0x0];
	p1 =	sne.s32 s17, $0x1FC;
	[tilespmem:s15+$0x0 ss:$0x81] =	vst.msk $0xffff, v0;
	s15 =	smov.u32 s17;
	s17 =	sadd.s32 $0x4, s17  }
.Ltmp3:
0x32: {  	v0 =	vld [tilespmem:s18+$0xFFFFFFF0];
	(pc) =	sbr.rel @p1 .LBB1_3-.Ltmp3, $4  }
0x33: {  	_ = 	snop  }
0x34: {  	s15 =	sshra.s32 s15, $0x2  }
0x35: {  	s15 =	sadd.s32 s15, s16  }
0x36: {  	s18 =	sadd.s32 $0x20, s18;
	[tilespmem:s15+$0x810 ss:$0x81] =	vst.msk $0xffff, v1  }
.Ltmp4:
0x37: {  	_ = 	snop;
	(pc) =	sbr.rel .LBB1_4-.Ltmp4, $1  }
0x38: {  	_ =	sdelay $0x3  }
.LBB1_6:
0x39: {  	_ =	sfence.sel $0x180000  }
0x3a: {  	s2 =	simm.s32 $0x1;
	[bflag:$0x0] =	sbarrier.arrive $0xFFFF  }
0x3b: {  	s31 =	simm.s32 $0x2;
	[sflag:s2] =	ssyncpa.u1 $0x1  }
0x3c: {  	[sflag:s31] =	ssyncpa.u1 $0x1  }
0x3d: {  	p0 =	sne.s32 s0, $0x0;
	_ =	strace $0x9000004A  }
0x3e: {  	s0 =	sadd.s32 @!p0 $0x100000, s1;
	[bflag:$0x2] =	sbarrier.arrive $0xFFFF  }
0x3f: {  	[sflag:s0] =	ssyncadd.tile.s32 @!p0 $0x1;
	_ =	shalt  }
.Lfunc_end1:
_tile_overlayer_lowered:
.L_overlay_start_2:
0x40: {  	(tag) =	ssettag $0x2  }
0x41: {  	s0 =	rddreg [dreg:$0x0];
	s2 =	stileid.u32  }
0x42: {  	s1 =	rddreg [dreg:$0x1];
	p0 =	sne.s32 s2, $0x0  }
0x43: {  	s3 =	rddreg [dreg:$0x2];
	[bflag:$0x3] =	sbarrier.arrive $0xFFFF;
	s2 =	simm.s32 @!p0 $0x1C01  }
0x44: {  	[timem:s3], [sflag:s2] =	dma.local @!p0 [hbm:s0], s1  }
0x45: {  	s0 =	simm.s32 @!p0 $0x1  }
0x46: {  	_ =	swait.ge @!p0 [sflag:s0], s1  }
0x47: {  	s1 =	ssub.s32 @!p0 $0x0, s1;
	[sflag:s0] =	ssyncset.done @!p0 $0x0  }
0x48: {  	[sflag:s0] =	ssyncadd.s32 @!p0 s1  }
0x49: {  	[bflag:$0x3] =	sbarrier.arrive $0xFFFF  }
0x4a: {  	_ =	shalt  }

</sc_bundles>
